<compile_context>
chip_gen: v7x
topology: tpu7x:2x2x1
jax: 0.10.2.dev20260603
libtpu: 0.0.44.dev20260713+nightly
codegen_flags: <defaults>
</compile_context>

<pallas_src>
import functools

import jax
import jax.numpy as jnp
from jax import lax
from jax.experimental import pallas as pl
from jax.experimental.pallas import tpu as pltpu
from jax.experimental.pallas import tpu_sc as plsc

N = 16384
K = 8192
D = 256
BN = 2048
BK = 512
LOSS_SCALE = 1.25 / (N * D)


def _row_norm_t(x):
    p = x * x
    c = p[:, :128] + p[:, 128:]
    t = c.T
    acc = t[0:8, :]
    for g in range(1, 16):
        acc = acc + t[8 * g:8 * g + 8, :]
    a4 = acc[0:4, :] + acc[4:8, :]
    a2 = a4[0:2, :] + a4[2:4, :]
    return a2[0:1, :] + a2[1:2, :]


def _argmin_body(z_ref, e_ref, idx_ref, loss_ref, m_ref, i_ref, e2_ref):
    i = pl.program_id(0)
    z = z_ref[...]
    z2 = _row_norm_t(z).T
    zs = z + z

    @pl.when(i == 0)
    def _():
        def einit(kk, _):
            e = e_ref[pl.ds(kk * BK, BK), :]
            e2_ref[0:1, pl.ds(kk * BK, BK)] = _row_norm_t(e)
            return 0
        lax.fori_loop(0, K // BK, einit, 0, unroll=True)

    def chunk_d2(kk):
        e = e_ref[pl.ds(kk * BK, BK), :]
        e2 = e2_ref[0:1, pl.ds(kk * BK, BK)]
        dot2 = lax.dot_general(zs, e, (((1,), (1,)), ((), ())),
                               preferred_element_type=jnp.float32)
        return (z2 + e2) - dot2

    m_ref[...] = chunk_d2(0)
    i_ref[...] = jnp.zeros((BN, BK), jnp.float32)

    def step(kk, _):
        d2 = chunk_d2(kk)
        better = d2 < m_ref[...]
        m_ref[...] = jnp.where(better, d2, m_ref[...])
        i_ref[...] = jnp.where(better, kk.astype(jnp.float32), i_ref[...])
        return 0

    lax.fori_loop(1, K // BK, step, 0, unroll=4)
    dist = jnp.sqrt(jnp.maximum(m_ref[...], 0.0))
    mn = jnp.min(dist, axis=1, keepdims=True)
    lane = lax.broadcasted_iota(jnp.int32, (BN, BK), 1).astype(jnp.float32)
    gid = i_ref[...] * float(BK) + lane
    am = jnp.min(jnp.where(dist == mn, gid, float(K)), axis=1)
    idx_ref[...] = am.astype(jnp.int32)
    part = (jnp.sum(mn * mn) * LOSS_SCALE).reshape(1, 1)

    @pl.when(i == 0)
    def _():
        loss_ref[...] = part

    @pl.when(i > 0)
    def _():
        loss_ref[...] = loss_ref[...] + part


_argmin_call = pl.pallas_call(
    _argmin_body,
    grid=(N // BN,),
    in_specs=[
        pl.BlockSpec((BN, D), lambda i: (i, 0)),
        pl.BlockSpec((K, D), lambda i: (0, 0)),
    ],
    out_specs=[
        pl.BlockSpec((BN,), lambda i: (i,)),
        pl.BlockSpec((1, 1), lambda i: (0, 0)),
    ],
    out_shape=[
        jax.ShapeDtypeStruct((N,), jnp.int32),
        jax.ShapeDtypeStruct((1, 1), jnp.float32),
    ],
    scratch_shapes=[
        pltpu.VMEM((BN, BK), jnp.float32),
        pltpu.VMEM((BN, BK), jnp.float32),
        pltpu.VMEM((1, K), jnp.float32),
    ],
)

_NW = 32
_BPW = N // _NW
_CH = 128


@functools.cache
def _sc_gather():
    @functools.partial(
        pl.kernel,
        mesh=plsc.VectorSubcoreMesh(core_axis_name="c", subcore_axis_name="s"),
        out_type=jax.ShapeDtypeStruct((N, D), jnp.float32),
        scratch_types=[
            pltpu.VMEM((_CH,), jnp.int32),
            pltpu.VMEM((_CH, D), jnp.float32),
            pltpu.SemaphoreType.DMA,
        ],
    )
    def gather(table_hbm, idx_hbm, out_hbm, idx_v, rows_v, sem):
        wid = lax.axis_index("s") * 2 + lax.axis_index("c")
        base = wid * _BPW
        for c in range(_BPW // _CH):
            o = base + c * _CH
            pltpu.sync_copy(idx_hbm.at[pl.ds(o, _CH)], idx_v)
            pltpu.async_copy(table_hbm.at[idx_v], rows_v, sem).wait()
            pltpu.sync_copy(rows_v, out_hbm.at[pl.ds(o, _CH)])

    return gather


def kernel(z, embeddings):
    idx, loss = _argmin_call(z, embeddings)
    quantized = _sc_gather()(embeddings, idx)
    return idx, quantized, loss[0, 0]

# --- scband reference (transcript-rebuilt; emitter-appended) ---
"""Pipeline reference for scband-vqcodebook-53249004535975 (READ-ONLY COPY).

The authoritative reference and input builder live on the scoring server;
editing this copy changes nothing except your own understanding.
"""

import jax, jax.numpy as jnp
import numpy as np

SIZE = 8192
DIM = 256
BETA = 0.25


def setup_inputs(seed: int = 0) -> dict:
    key = jax.random.key(seed)
    k1, k2 = jax.random.split(key)
    z = jax.random.normal(k1, (16384, DIM), dtype=jnp.float32)
    # learned codebook, initialized like torch: randn * 0.1
    embeddings = jax.random.normal(k2, (SIZE, DIM), dtype=jnp.float32) * 0.1
    return {"z": z, "embeddings": embeddings}


def reference(z, embeddings):
    # torch.cdist(z, embeddings) with p=2 (euclidean)
    z2 = jnp.sum(z * z, axis=1, keepdims=True)            # [N, 1]
    e2 = jnp.sum(embeddings * embeddings, axis=1)[None, :]  # [1, K]
    d2 = jnp.maximum(z2 + e2 - 2.0 * (z @ embeddings.T), 0.0)
    dist = jnp.sqrt(d2)                                    # [N, K]
    indices = jnp.argmin(dist, axis=-1)                    # [N]
    quantized = jnp.take(embeddings, indices, axis=0)      # gather [N, D]
    commit_loss = BETA * jnp.mean((z - jax.lax.stop_gradient(quantized)) ** 2)
    codebook_loss = jnp.mean((quantized - jax.lax.stop_gradient(z)) ** 2)
    loss = commit_loss + codebook_loss
    # straight-through estimator: grad flows from quantized to z unchanged
    quantized_st = z + jax.lax.stop_gradient(quantized - z)
    return indices, quantized_st, loss

if __name__ == "__main__":
    import jax
    _d = setup_inputs()
    print(jax.jit(kernel)(*tuple(_d.values())))

</pallas_src>

<mosaic_0001>
#map = affine_map<(d0, d1) -> (0, 0)>
#map1 = affine_map<(d0, d1) -> (0)>
module attributes {stable_mosaic.version = 14 : i64} {
  func.func @gather(%arg0: i32, %arg1: i32, %arg2: memref<8192x256xf32, #tpu.memory_space<hbm>>, %arg3: memref<16384xi32, #tpu.memory_space<hbm>>, %arg4: memref<16384x256xf32, #tpu.memory_space<hbm>>, %arg5: memref<128xi32, #tpu.memory_space<vmem>>, %arg6: memref<128x256xf32, #tpu.memory_space<vmem>>, %arg7: memref<!tpu.dma_semaphore, #tpu.memory_space<semaphore_mem>>) attributes {dimension_semantics = [#tpu.dimension_semantics<core_parallel>, #tpu.dimension_semantics<subcore_parallel>], iteration_bounds = array<i64: 2, 16>, scalar_prefetch = 0 : i64, scratch_operands = 3 : i64, tpu.core_type = #tpu.core_type<sc_vector_subcore>, window_params = [{transform_indices = #map}, {transform_indices = #map1}, {transform_indices = #map}]} {
    %mul3A = arith.constant 2 : i32
    %mul3A_0 = arith.muli %arg1, %mul3A : i32
    %add3A = arith.addi %mul3A_0, %arg0 : i32
    %mul3A_1 = arith.constant 512 : i32
    %mul3A_2 = arith.muli %add3A, %mul3A_1 : i32
    %add3A_3 = arith.constant 0 : i32
    %add3A_4 = arith.addi %mul3A_2, %add3A_3 : i32
    "tpu.region"() ({
      %run_scoped3A = tpu.sem_alloc : memref<!tpu.dma_semaphore, #tpu.memory_space<semaphore_mem>>
      %dma_start3A_33 = tpu.memref_slice %arg3[%add3A_4] : memref<16384xi32, #tpu.memory_space<hbm>> -> memref<128xi32, #tpu.memory_space<hbm>>
      %dma_start3A_34 = tpu.memref_slice %arg3[%add3A_4] : memref<16384xi32, #tpu.memory_space<hbm>> -> memref<128xi32, #tpu.memory_space<hbm>>
      tpu.enqueue_dma source(%dma_start3A_34 : memref<128xi32, #tpu.memory_space<hbm>>) target(%arg5 : memref<128xi32, #tpu.memory_space<vmem>>) target_semaphore(%run_scoped3A : memref<!tpu.dma_semaphore, #tpu.memory_space<semaphore_mem>>)
      %dma_wait3A_35 = tpu.memref_slice %arg3[%add3A_4] : memref<16384xi32, #tpu.memory_space<hbm>> -> memref<128xi32, #tpu.memory_space<hbm>>
      %dma_wait3A_36 = tpu.memref_slice %arg3[%add3A_4] : memref<16384xi32, #tpu.memory_space<hbm>> -> memref<128xi32, #tpu.memory_space<hbm>>
      tpu.wait_dma2 semaphore(%run_scoped3A : memref<!tpu.dma_semaphore, #tpu.memory_space<semaphore_mem>>) src(%dma_wait3A_36 : memref<128xi32, #tpu.memory_space<hbm>>) dst(%arg5 : memref<128xi32, #tpu.memory_space<vmem>>)
      tpu.yield
    }) : () -> ()
    %dma_start3A = arith.constant 0 : i32
    %dma_start3A_5 = arith.constant 0 : i32
    %dma_start3A_6 = tpu.memref_slice %arg2[%dma_start3A, %dma_start3A_5] : memref<8192x256xf32, #tpu.memory_space<hbm>> -> memref<8192x256xf32, #tpu.memory_space<hbm>>
    tpu.enqueue_indirect_dma source(%dma_start3A_6 : memref<8192x256xf32, #tpu.memory_space<hbm>>) target(%arg6 : memref<128x256xf32, #tpu.memory_space<vmem>>) offsets(%arg5 : memref<128xi32, #tpu.memory_space<vmem>>) semaphore(%arg7 : memref<!tpu.dma_semaphore, #tpu.memory_space<semaphore_mem>>)
    %dma_wait3A = arith.constant 0 : i32
    %dma_wait3A_7 = arith.constant 0 : i32
    %dma_wait3A_8 = tpu.memref_slice %arg2[%dma_wait3A, %dma_wait3A_7] : memref<8192x256xf32, #tpu.memory_space<hbm>> -> memref<8192x256xf32, #tpu.memory_space<hbm>>
    tpu.wait_indirect_dma semaphore(%arg7 : memref<!tpu.dma_semaphore, #tpu.memory_space<semaphore_mem>>) src(%dma_wait3A_8 : memref<8192x256xf32, #tpu.memory_space<hbm>>) dst(%arg6 : memref<128x256xf32, #tpu.memory_space<vmem>>)
    "tpu.region"() ({
      %run_scoped3A = tpu.sem_alloc : memref<!tpu.dma_semaphore, #tpu.memory_space<semaphore_mem>>
      %dma_start3A_33 = arith.constant 0 : i32
      %dma_start3A_34 = tpu.memref_slice %arg4[%add3A_4, %dma_start3A_33] : memref<16384x256xf32, #tpu.memory_space<hbm>> -> memref<128x256xf32, #tpu.memory_space<hbm>>
      %dma_start3A_35 = arith.constant 0 : i32
      %dma_start3A_36 = tpu.memref_slice %arg4[%add3A_4, %dma_start3A_35] : memref<16384x256xf32, #tpu.memory_space<hbm>> -> memref<128x256xf32, #tpu.memory_space<hbm>>
      tpu.enqueue_dma source(%arg6 : memref<128x256xf32, #tpu.memory_space<vmem>>) target(%dma_start3A_36 : memref<128x256xf32, #tpu.memory_space<hbm>>) target_semaphore(%run_scoped3A : memref<!tpu.dma_semaphore, #tpu.memory_space<semaphore_mem>>)
      %dma_wait3A_37 = arith.constant 0 : i32
      %dma_wait3A_38 = tpu.memref_slice %arg4[%add3A_4, %dma_wait3A_37] : memref<16384x256xf32, #tpu.memory_space<hbm>> -> memref<128x256xf32, #tpu.memory_space<hbm>>
      %dma_wait3A_39 = arith.constant 0 : i32
      %dma_wait3A_40 = tpu.memref_slice %arg4[%add3A_4, %dma_wait3A_39] : memref<16384x256xf32, #tpu.memory_space<hbm>> -> memref<128x256xf32, #tpu.memory_space<hbm>>
      tpu.wait_dma2 semaphore(%run_scoped3A : memref<!tpu.dma_semaphore, #tpu.memory_space<semaphore_mem>>) src(%arg6 : memref<128x256xf32, #tpu.memory_space<vmem>>) dst(%dma_wait3A_40 : memref<128x256xf32, #tpu.memory_space<hbm>>)
      tpu.yield
    }) : () -> ()
    %add3A_9 = arith.constant 128 : i32
    %add3A_10 = arith.addi %mul3A_2, %add3A_9 : i32
    "tpu.region"() ({
      %run_scoped3A = tpu.sem_alloc : memref<!tpu.dma_semaphore, #tpu.memory_space<semaphore_mem>>
      %dma_start3A_33 = tpu.memref_slice %arg3[%add3A_10] : memref<16384xi32, #tpu.memory_space<hbm>> -> memref<128xi32, #tpu.memory_space<hbm>>
      %dma_start3A_34 = tpu.memref_slice %arg3[%add3A_10] : memref<16384xi32, #tpu.memory_space<hbm>> -> memref<128xi32, #tpu.memory_space<hbm>>
      tpu.enqueue_dma source(%dma_start3A_34 : memref<128xi32, #tpu.memory_space<hbm>>) target(%arg5 : memref<128xi32, #tpu.memory_space<vmem>>) target_semaphore(%run_scoped3A : memref<!tpu.dma_semaphore, #tpu.memory_space<semaphore_mem>>)
      %dma_wait3A_35 = tpu.memref_slice %arg3[%add3A_10] : memref<16384xi32, #tpu.memory_space<hbm>> -> memref<128xi32, #tpu.memory_space<hbm>>
      %dma_wait3A_36 = tpu.memref_slice %arg3[%add3A_10] : memref<16384xi32, #tpu.memory_space<hbm>> -> memref<128xi32, #tpu.memory_space<hbm>>
      tpu.wait_dma2 semaphore(%run_scoped3A : memref<!tpu.dma_semaphore, #tpu.memory_space<semaphore_mem>>) src(%dma_wait3A_36 : memref<128xi32, #tpu.memory_space<hbm>>) dst(%arg5 : memref<128xi32, #tpu.memory_space<vmem>>)
      tpu.yield
    }) : () -> ()
    %dma_start3A_11 = arith.constant 0 : i32
    %dma_start3A_12 = arith.constant 0 : i32
    %dma_start3A_13 = tpu.memref_slice %arg2[%dma_start3A_11, %dma_start3A_12] : memref<8192x256xf32, #tpu.memory_space<hbm>> -> memref<8192x256xf32, #tpu.memory_space<hbm>>
    tpu.enqueue_indirect_dma source(%dma_start3A_13 : memref<8192x256xf32, #tpu.memory_space<hbm>>) target(%arg6 : memref<128x256xf32, #tpu.memory_space<vmem>>) offsets(%arg5 : memref<128xi32, #tpu.memory_space<vmem>>) semaphore(%arg7 : memref<!tpu.dma_semaphore, #tpu.memory_space<semaphore_mem>>)
    %dma_wait3A_14 = arith.constant 0 : i32
    %dma_wait3A_15 = arith.constant 0 : i32
    %dma_wait3A_16 = tpu.memref_slice %arg2[%dma_wait3A_14, %dma_wait3A_15] : memref<8192x256xf32, #tpu.memory_space<hbm>> -> memref<8192x256xf32, #tpu.memory_space<hbm>>
    tpu.wait_indirect_dma semaphore(%arg7 : memref<!tpu.dma_semaphore, #tpu.memory_space<semaphore_mem>>) src(%dma_wait3A_16 : memref<8192x256xf32, #tpu.memory_space<hbm>>) dst(%arg6 : memref<128x256xf32, #tpu.memory_space<vmem>>)
    "tpu.region"() ({
      %run_scoped3A = tpu.sem_alloc : memref<!tpu.dma_semaphore, #tpu.memory_space<semaphore_mem>>
      %dma_start3A_33 = arith.constant 0 : i32
      %dma_start3A_34 = tpu.memref_slice %arg4[%add3A_10, %dma_start3A_33] : memref<16384x256xf32, #tpu.memory_space<hbm>> -> memref<128x256xf32, #tpu.memory_space<hbm>>
      %dma_start3A_35 = arith.constant 0 : i32
      %dma_start3A_36 = tpu.memref_slice %arg4[%add3A_10, %dma_start3A_35] : memref<16384x256xf32, #tpu.memory_space<hbm>> -> memref<128x256xf32, #tpu.memory_space<hbm>>
      tpu.enqueue_dma source(%arg6 : memref<128x256xf32, #tpu.memory_space<vmem>>) target(%dma_start3A_36 : memref<128x256xf32, #tpu.memory_space<hbm>>) target_semaphore(%run_scoped3A : memref<!tpu.dma_semaphore, #tpu.memory_space<semaphore_mem>>)
      %dma_wait3A_37 = arith.constant 0 : i32
      %dma_wait3A_38 = tpu.memref_slice %arg4[%add3A_10, %dma_wait3A_37] : memref<16384x256xf32, #tpu.memory_space<hbm>> -> memref<128x256xf32, #tpu.memory_space<hbm>>
      %dma_wait3A_39 = arith.constant 0 : i32
      %dma_wait3A_40 = tpu.memref_slice %arg4[%add3A_10, %dma_wait3A_39] : memref<16384x256xf32, #tpu.memory_space<hbm>> -> memref<128x256xf32, #tpu.memory_space<hbm>>
      tpu.wait_dma2 semaphore(%run_scoped3A : memref<!tpu.dma_semaphore, #tpu.memory_space<semaphore_mem>>) src(%arg6 : memref<128x256xf32, #tpu.memory_space<vmem>>) dst(%dma_wait3A_40 : memref<128x256xf32, #tpu.memory_space<hbm>>)
      tpu.yield
    }) : () -> ()
    %add3A_17 = arith.constant 256 : i32
    %add3A_18 = arith.addi %mul3A_2, %add3A_17 : i32
    "tpu.region"() ({
      %run_scoped3A = tpu.sem_alloc : memref<!tpu.dma_semaphore, #tpu.memory_space<semaphore_mem>>
      %dma_start3A_33 = tpu.memref_slice %arg3[%add3A_18] : memref<16384xi32, #tpu.memory_space<hbm>> -> memref<128xi32, #tpu.memory_space<hbm>>
      %dma_start3A_34 = tpu.memref_slice %arg3[%add3A_18] : memref<16384xi32, #tpu.memory_space<hbm>> -> memref<128xi32, #tpu.memory_space<hbm>>
      tpu.enqueue_dma source(%dma_start3A_34 : memref<128xi32, #tpu.memory_space<hbm>>) target(%arg5 : memref<128xi32, #tpu.memory_space<vmem>>) target_semaphore(%run_scoped3A : memref<!tpu.dma_semaphore, #tpu.memory_space<semaphore_mem>>)
      %dma_wait3A_35 = tpu.memref_slice %arg3[%add3A_18] : memref<16384xi32, #tpu.memory_space<hbm>> -> memref<128xi32, #tpu.memory_space<hbm>>
      %dma_wait3A_36 = tpu.memref_slice %arg3[%add3A_18] : memref<16384xi32, #tpu.memory_space<hbm>> -> memref<128xi32, #tpu.memory_space<hbm>>
      tpu.wait_dma2 semaphore(%run_scoped3A : memref<!tpu.dma_semaphore, #tpu.memory_space<semaphore_mem>>) src(%dma_wait3A_36 : memref<128xi32, #tpu.memory_space<hbm>>) dst(%arg5 : memref<128xi32, #tpu.memory_space<vmem>>)
      tpu.yield
    }) : () -> ()
    %dma_start3A_19 = arith.constant 0 : i32
    %dma_start3A_20 = arith.constant 0 : i32
    %dma_start3A_21 = tpu.memref_slice %arg2[%dma_start3A_19, %dma_start3A_20] : memref<8192x256xf32, #tpu.memory_space<hbm>> -> memref<8192x256xf32, #tpu.memory_space<hbm>>
    tpu.enqueue_indirect_dma source(%dma_start3A_21 : memref<8192x256xf32, #tpu.memory_space<hbm>>) target(%arg6 : memref<128x256xf32, #tpu.memory_space<vmem>>) offsets(%arg5 : memref<128xi32, #tpu.memory_space<vmem>>) semaphore(%arg7 : memref<!tpu.dma_semaphore, #tpu.memory_space<semaphore_mem>>)
    %dma_wait3A_22 = arith.constant 0 : i32
    %dma_wait3A_23 = arith.constant 0 : i32
    %dma_wait3A_24 = tpu.memref_slice %arg2[%dma_wait3A_22, %dma_wait3A_23] : memref<8192x256xf32, #tpu.memory_space<hbm>> -> memref<8192x256xf32, #tpu.memory_space<hbm>>
    tpu.wait_indirect_dma semaphore(%arg7 : memref<!tpu.dma_semaphore, #tpu.memory_space<semaphore_mem>>) src(%dma_wait3A_24 : memref<8192x256xf32, #tpu.memory_space<hbm>>) dst(%arg6 : memref<128x256xf32, #tpu.memory_space<vmem>>)
    "tpu.region"() ({
      %run_scoped3A = tpu.sem_alloc : memref<!tpu.dma_semaphore, #tpu.memory_space<semaphore_mem>>
      %dma_start3A_33 = arith.constant 0 : i32
      %dma_start3A_34 = tpu.memref_slice %arg4[%add3A_18, %dma_start3A_33] : memref<16384x256xf32, #tpu.memory_space<hbm>> -> memref<128x256xf32, #tpu.memory_space<hbm>>
      %dma_start3A_35 = arith.constant 0 : i32
      %dma_start3A_36 = tpu.memref_slice %arg4[%add3A_18, %dma_start3A_35] : memref<16384x256xf32, #tpu.memory_space<hbm>> -> memref<128x256xf32, #tpu.memory_space<hbm>>
      tpu.enqueue_dma source(%arg6 : memref<128x256xf32, #tpu.memory_space<vmem>>) target(%dma_start3A_36 : memref<128x256xf32, #tpu.memory_space<hbm>>) target_semaphore(%run_scoped3A : memref<!tpu.dma_semaphore, #tpu.memory_space<semaphore_mem>>)
      %dma_wait3A_37 = arith.constant 0 : i32
      %dma_wait3A_38 = tpu.memref_slice %arg4[%add3A_18, %dma_wait3A_37] : memref<16384x256xf32, #tpu.memory_space<hbm>> -> memref<128x256xf32, #tpu.memory_space<hbm>>
      %dma_wait3A_39 = arith.constant 0 : i32
      %dma_wait3A_40 = tpu.memref_slice %arg4[%add3A_18, %dma_wait3A_39] : memref<16384x256xf32, #tpu.memory_space<hbm>> -> memref<128x256xf32, #tpu.memory_space<hbm>>
      tpu.wait_dma2 semaphore(%run_scoped3A : memref<!tpu.dma_semaphore, #tpu.memory_space<semaphore_mem>>) src(%arg6 : memref<128x256xf32, #tpu.memory_space<vmem>>) dst(%dma_wait3A_40 : memref<128x256xf32, #tpu.memory_space<hbm>>)
      tpu.yield
    }) : () -> ()
    %add3A_25 = arith.constant 384 : i32
    %add3A_26 = arith.addi %mul3A_2, %add3A_25 : i32
    "tpu.region"() ({
      %run_scoped3A = tpu.sem_alloc : memref<!tpu.dma_semaphore, #tpu.memory_space<semaphore_mem>>
      %dma_start3A_33 = tpu.memref_slice %arg3[%add3A_26] : memref<16384xi32, #tpu.memory_space<hbm>> -> memref<128xi32, #tpu.memory_space<hbm>>
      %dma_start3A_34 = tpu.memref_slice %arg3[%add3A_26] : memref<16384xi32, #tpu.memory_space<hbm>> -> memref<128xi32, #tpu.memory_space<hbm>>
      tpu.enqueue_dma source(%dma_start3A_34 : memref<128xi32, #tpu.memory_space<hbm>>) target(%arg5 : memref<128xi32, #tpu.memory_space<vmem>>) target_semaphore(%run_scoped3A : memref<!tpu.dma_semaphore, #tpu.memory_space<semaphore_mem>>)
      %dma_wait3A_35 = tpu.memref_slice %arg3[%add3A_26] : memref<16384xi32, #tpu.memory_space<hbm>> -> memref<128xi32, #tpu.memory_space<hbm>>
      %dma_wait3A_36 = tpu.memref_slice %arg3[%add3A_26] : memref<16384xi32, #tpu.memory_space<hbm>> -> memref<128xi32, #tpu.memory_space<hbm>>
      tpu.wait_dma2 semaphore(%run_scoped3A : memref<!tpu.dma_semaphore, #tpu.memory_space<semaphore_mem>>) src(%dma_wait3A_36 : memref<128xi32, #tpu.memory_space<hbm>>) dst(%arg5 : memref<128xi32, #tpu.memory_space<vmem>>)
      tpu.yield
    }) : () -> ()
    %dma_start3A_27 = arith.constant 0 : i32
    %dma_start3A_28 = arith.constant 0 : i32
    %dma_start3A_29 = tpu.memref_slice %arg2[%dma_start3A_27, %dma_start3A_28] : memref<8192x256xf32, #tpu.memory_space<hbm>> -> memref<8192x256xf32, #tpu.memory_space<hbm>>
    tpu.enqueue_indirect_dma source(%dma_start3A_29 : memref<8192x256xf32, #tpu.memory_space<hbm>>) target(%arg6 : memref<128x256xf32, #tpu.memory_space<vmem>>) offsets(%arg5 : memref<128xi32, #tpu.memory_space<vmem>>) semaphore(%arg7 : memref<!tpu.dma_semaphore, #tpu.memory_space<semaphore_mem>>)
    %dma_wait3A_30 = arith.constant 0 : i32
    %dma_wait3A_31 = arith.constant 0 : i32
    %dma_wait3A_32 = tpu.memref_slice %arg2[%dma_wait3A_30, %dma_wait3A_31] : memref<8192x256xf32, #tpu.memory_space<hbm>> -> memref<8192x256xf32, #tpu.memory_space<hbm>>
    tpu.wait_indirect_dma semaphore(%arg7 : memref<!tpu.dma_semaphore, #tpu.memory_space<semaphore_mem>>) src(%dma_wait3A_32 : memref<8192x256xf32, #tpu.memory_space<hbm>>) dst(%arg6 : memref<128x256xf32, #tpu.memory_space<vmem>>)
    "tpu.region"() ({
      %run_scoped3A = tpu.sem_alloc : memref<!tpu.dma_semaphore, #tpu.memory_space<semaphore_mem>>
      %dma_start3A_33 = arith.constant 0 : i32
      %dma_start3A_34 = tpu.memref_slice %arg4[%add3A_26, %dma_start3A_33] : memref<16384x256xf32, #tpu.memory_space<hbm>> -> memref<128x256xf32, #tpu.memory_space<hbm>>
      %dma_start3A_35 = arith.constant 0 : i32
      %dma_start3A_36 = tpu.memref_slice %arg4[%add3A_26, %dma_start3A_35] : memref<16384x256xf32, #tpu.memory_space<hbm>> -> memref<128x256xf32, #tpu.memory_space<hbm>>
      tpu.enqueue_dma source(%arg6 : memref<128x256xf32, #tpu.memory_space<vmem>>) target(%dma_start3A_36 : memref<128x256xf32, #tpu.memory_space<hbm>>) target_semaphore(%run_scoped3A : memref<!tpu.dma_semaphore, #tpu.memory_space<semaphore_mem>>)
      %dma_wait3A_37 = arith.constant 0 : i32
      %dma_wait3A_38 = tpu.memref_slice %arg4[%add3A_26, %dma_wait3A_37] : memref<16384x256xf32, #tpu.memory_space<hbm>> -> memref<128x256xf32, #tpu.memory_space<hbm>>
      %dma_wait3A_39 = arith.constant 0 : i32
      %dma_wait3A_40 = tpu.memref_slice %arg4[%add3A_26, %dma_wait3A_39] : memref<16384x256xf32, #tpu.memory_space<hbm>> -> memref<128x256xf32, #tpu.memory_space<hbm>>
      tpu.wait_dma2 semaphore(%run_scoped3A : memref<!tpu.dma_semaphore, #tpu.memory_space<semaphore_mem>>) src(%arg6 : memref<128x256xf32, #tpu.memory_space<vmem>>) dst(%dma_wait3A_40 : memref<128x256xf32, #tpu.memory_space<hbm>>)
      tpu.yield
    }) : () -> ()
    return
  }
}

module attributes {stable_mosaic.version = 14 : i64} {
  func.func @_argmin_body(%arg0: i32, %arg1: memref<2048x256xf32, #tpu.memory_space<vmem>>, %arg2: memref<8192x256xf32, #tpu.memory_space<vmem>>, %arg3: memref<2048xi32, #tpu.memory_space<vmem>>, %arg4: memref<1x1xf32, #tpu.memory_space<vmem>>, %arg5: memref<2048x512xf32, #tpu.memory_space<vmem>>, %arg6: memref<2048x512xf32, #tpu.memory_space<vmem>>, %arg7: memref<1x8192xf32, #tpu.memory_space<vmem>>) attributes {dimension_semantics = [#tpu.dimension_semantics<arbitrary>], iteration_bounds = array<i64: 8>, scalar_prefetch = 0 : i64, scratch_operands = 3 : i64, tpu.core_type = #tpu.core_type<tc>, window_params = [{transform_indices = @transform_0, window_bounds = array<i64: 2048, 256>}, {pipeline_mode = #tpu.pipeline_mode<synchronous>, transform_indices = @transform_1, window_bounds = array<i64: 8192, 256>}, {transform_indices = @transform_2, window_bounds = array<i64: 2048>}, {pipeline_mode = #tpu.pipeline_mode<synchronous>, transform_indices = @transform_3, window_bounds = array<i64: 1, 1>}]} {
    %get3A = arith.constant 0 : index
    %get3A_0 = arith.constant 0 : index
    %get3A_1 = vector.load %arg1[%get3A, %get3A_0] : memref<2048x256xf32, #tpu.memory_space<vmem>>, vector<2048x256xf32>
    %mul3A = arith.mulf %get3A_1, %get3A_1 : vector<2048x256xf32>
    %slice3A = vector.extract_strided_slice %mul3A {offsets = [0, 0], sizes = [2048, 128], strides = [1, 1]} : vector<2048x256xf32> to vector<2048x128xf32>
    %slice3A_2 = vector.extract_strided_slice %mul3A {offsets = [0, 128], sizes = [2048, 128], strides = [1, 1]} : vector<2048x256xf32> to vector<2048x128xf32>
    %add3A = arith.addf %slice3A, %slice3A_2 : vector<2048x128xf32>
    %transpose3A = tpu.transpose %add3A, [1, 0] : vector<2048x128xf32> -> vector<128x2048xf32>
    %slice3A_3 = vector.extract_strided_slice %transpose3A {offsets = [0, 0], sizes = [8, 2048], strides = [1, 1]} : vector<128x2048xf32> to vector<8x2048xf32>
    %slice3A_4 = vector.extract_strided_slice %transpose3A {offsets = [8, 0], sizes = [8, 2048], strides = [1, 1]} : vector<128x2048xf32> to vector<8x2048xf32>
    %add3A_5 = arith.addf %slice3A_3, %slice3A_4 : vector<8x2048xf32>
    %slice3A_6 = vector.extract_strided_slice %transpose3A {offsets = [16, 0], sizes = [8, 2048], strides = [1, 1]} : vector<128x2048xf32> to vector<8x2048xf32>
    %add3A_7 = arith.addf %add3A_5, %slice3A_6 : vector<8x2048xf32>
    %slice3A_8 = vector.extract_strided_slice %transpose3A {offsets = [24, 0], sizes = [8, 2048], strides = [1, 1]} : vector<128x2048xf32> to vector<8x2048xf32>
    %add3A_9 = arith.addf %add3A_7, %slice3A_8 : vector<8x2048xf32>
    %slice3A_10 = vector.extract_strided_slice %transpose3A {offsets = [32, 0], sizes = [8, 2048], strides = [1, 1]} : vector<128x2048xf32> to vector<8x2048xf32>
    %add3A_11 = arith.addf %add3A_9, %slice3A_10 : vector<8x2048xf32>
    %slice3A_12 = vector.extract_strided_slice %transpose3A {offsets = [40, 0], sizes = [8, 2048], strides = [1, 1]} : vector<128x2048xf32> to vector<8x2048xf32>
    %add3A_13 = arith.addf %add3A_11, %slice3A_12 : vector<8x2048xf32>
    %slice3A_14 = vector.extract_strided_slice %transpose3A {offsets = [48, 0], sizes = [8, 2048], strides = [1, 1]} : vector<128x2048xf32> to vector<8x2048xf32>
    %add3A_15 = arith.addf %add3A_13, %slice3A_14 : vector<8x2048xf32>
    %slice3A_16 = vector.extract_strided_slice %transpose3A {offsets = [56, 0], sizes = [8, 2048], strides = [1, 1]} : vector<128x2048xf32> to vector<8x2048xf32>
    %add3A_17 = arith.addf %add3A_15, %slice3A_16 : vector<8x2048xf32>
    %slice3A_18 = vector.extract_strided_slice %transpose3A {offsets = [64, 0], sizes = [8, 2048], strides = [1, 1]} : vector<128x2048xf32> to vector<8x2048xf32>
    %add3A_19 = arith.addf %add3A_17, %slice3A_18 : vector<8x2048xf32>
    %slice3A_20 = vector.extract_strided_slice %transpose3A {offsets = [72, 0], sizes = [8, 2048], strides = [1, 1]} : vector<128x2048xf32> to vector<8x2048xf32>
    %add3A_21 = arith.addf %add3A_19, %slice3A_20 : vector<8x2048xf32>
    %slice3A_22 = vector.extract_strided_slice %transpose3A {offsets = [80, 0], sizes = [8, 2048], strides = [1, 1]} : vector<128x2048xf32> to vector<8x2048xf32>
    %add3A_23 = arith.addf %add3A_21, %slice3A_22 : vector<8x2048xf32>
    %slice3A_24 = vector.extract_strided_slice %transpose3A {offsets = [88, 0], sizes = [8, 2048], strides = [1, 1]} : vector<128x2048xf32> to vector<8x2048xf32>
    %add3A_25 = arith.addf %add3A_23, %slice3A_24 : vector<8x2048xf32>
    %slice3A_26 = vector.extract_strided_slice %transpose3A {offsets = [96, 0], sizes = [8, 2048], strides = [1, 1]} : vector<128x2048xf32> to vector<8x2048xf32>
    %add3A_27 = arith.addf %add3A_25, %slice3A_26 : vector<8x2048xf32>
    %slice3A_28 = vector.extract_strided_slice %transpose3A {offsets = [104, 0], sizes = [8, 2048], strides = [1, 1]} : vector<128x2048xf32> to vector<8x2048xf32>
    %add3A_29 = arith.addf %add3A_27, %slice3A_28 : vector<8x2048xf32>
    %slice3A_30 = vector.extract_strided_slice %transpose3A {offsets = [112, 0], sizes = [8, 2048], strides = [1, 1]} : vector<128x2048xf32> to vector<8x2048xf32>
    %add3A_31 = arith.addf %add3A_29, %slice3A_30 : vector<8x2048xf32>
    %slice3A_32 = vector.extract_strided_slice %transpose3A {offsets = [120, 0], sizes = [8, 2048], strides = [1, 1]} : vector<128x2048xf32> to vector<8x2048xf32>
    %add3A_33 = arith.addf %add3A_31, %slice3A_32 : vector<8x2048xf32>
    %slice3A_34 = vector.extract_strided_slice %add3A_33 {offsets = [0, 0], sizes = [4, 2048], strides = [1, 1]} : vector<8x2048xf32> to vector<4x2048xf32>
    %slice3A_35 = vector.extract_strided_slice %add3A_33 {offsets = [4, 0], sizes = [4, 2048], strides = [1, 1]} : vector<8x2048xf32> to vector<4x2048xf32>
    %add3A_36 = arith.addf %slice3A_34, %slice3A_35 : vector<4x2048xf32>
    %slice3A_37 = vector.extract_strided_slice %add3A_36 {offsets = [0, 0], sizes = [2, 2048], strides = [1, 1]} : vector<4x2048xf32> to vector<2x2048xf32>
    %slice3A_38 = vector.extract_strided_slice %add3A_36 {offsets = [2, 0], sizes = [2, 2048], strides = [1, 1]} : vector<4x2048xf32> to vector<2x2048xf32>
    %add3A_39 = arith.addf %slice3A_37, %slice3A_38 : vector<2x2048xf32>
    %slice3A_40 = vector.extract_strided_slice %add3A_39 {offsets = [0, 0], sizes = [1, 2048], strides = [1, 1]} : vector<2x2048xf32> to vector<1x2048xf32>
    %slice3A_41 = vector.extract_strided_slice %add3A_39 {offsets = [1, 0], sizes = [1, 2048], strides = [1, 1]} : vector<2x2048xf32> to vector<1x2048xf32>
    %add3A_42 = arith.addf %slice3A_40, %slice3A_41 : vector<1x2048xf32>
    %transpose3A_43 = tpu.transpose %add3A_42, [1, 0] : vector<1x2048xf32> -> vector<2048x1xf32>
    %add3A_44 = arith.addf %get3A_1, %get3A_1 : vector<2048x256xf32>
    %eq3A = arith.constant 0 : i32
    %eq3A_45 = arith.cmpi eq, %arg0, %eq3A : i32
    %convert_element_type3A = arith.extui %eq3A_45 : i1 to i32
    %cond3A = arith.constant 0 : i32
    %cond3A_46 = arith.cmpi ne, %convert_element_type3A, %cond3A : i32
    scf.if %cond3A_46 {
      %scan3A_219 = arith.constant 0 : i32
      %mul3A_220 = arith.constant 512 : i32
      %mul3A_221 = arith.muli %scan3A_219, %mul3A_220 : i32
      %get3A_222 = arith.index_cast %mul3A_221 : i32 to index
      %get3A_223 = arith.constant 0 : index
      %get3A_224 = vector.load %arg2[%get3A_222, %get3A_223] : memref<8192x256xf32, #tpu.memory_space<vmem>>, vector<512x256xf32>
      %mul3A_225 = arith.mulf %get3A_224, %get3A_224 : vector<512x256xf32>
      %slice3A_226 = vector.extract_strided_slice %mul3A_225 {offsets = [0, 0], sizes = [512, 128], strides = [1, 1]} : vector<512x256xf32> to vector<512x128xf32>
      %slice3A_227 = vector.extract_strided_slice %mul3A_225 {offsets = [0, 128], sizes = [512, 128], strides = [1, 1]} : vector<512x256xf32> to vector<512x128xf32>
      %add3A_228 = arith.addf %slice3A_226, %slice3A_227 : vector<512x128xf32>
      %transpose3A_229 = tpu.transpose %add3A_228, [1, 0] : vector<512x128xf32> -> vector<128x512xf32>
      %slice3A_230 = vector.extract_strided_slice %transpose3A_229 {offsets = [0, 0], sizes = [8, 512], strides = [1, 1]} : vector<128x512xf32> to vector<8x512xf32>
      %slice3A_231 = vector.extract_strided_slice %transpose3A_229 {offsets = [8, 0], sizes = [8, 512], strides = [1, 1]} : vector<128x512xf32> to vector<8x512xf32>
      %add3A_232 = arith.addf %slice3A_230, %slice3A_231 : vector<8x512xf32>
      %slice3A_233 = vector.extract_strided_slice %transpose3A_229 {offsets = [16, 0], sizes = [8, 512], strides = [1, 1]} : vector<128x512xf32> to vector<8x512xf32>
      %add3A_234 = arith.addf %add3A_232, %slice3A_233 : vector<8x512xf32>
      %slice3A_235 = vector.extract_strided_slice %transpose3A_229 {offsets = [24, 0], sizes = [8, 512], strides = [1, 1]} : vector<128x512xf32> to vector<8x512xf32>
      %add3A_236 = arith.addf %add3A_234, %slice3A_235 : vector<8x512xf32>
      %slice3A_237 = vector.extract_strided_slice %transpose3A_229 {offsets = [32, 0], sizes = [8, 512], strides = [1, 1]} : vector<128x512xf32> to vector<8x512xf32>
      %add3A_238 = arith.addf %add3A_236, %slice3A_237 : vector<8x512xf32>
      %slice3A_239 = vector.extract_strided_slice %transpose3A_229 {offsets = [40, 0], sizes = [8, 512], strides = [1, 1]} : vector<128x512xf32> to vector<8x512xf32>
      %add3A_240 = arith.addf %add3A_238, %slice3A_239 : vector<8x512xf32>
      %slice3A_241 = vector.extract_strided_slice %transpose3A_229 {offsets = [48, 0], sizes = [8, 512], strides = [1, 1]} : vector<128x512xf32> to vector<8x512xf32>
      %add3A_242 = arith.addf %add3A_240, %slice3A_241 : vector<8x512xf32>
      %slice3A_243 = vector.extract_strided_slice %transpose3A_229 {offsets = [56, 0], sizes = [8, 512], strides = [1, 1]} : vector<128x512xf32> to vector<8x512xf32>
      %add3A_244 = arith.addf %add3A_242, %slice3A_243 : vector<8x512xf32>
      %slice3A_245 = vector.extract_strided_slice %transpose3A_229 {offsets = [64, 0], sizes = [8, 512], strides = [1, 1]} : vector<128x512xf32> to vector<8x512xf32>
      %add3A_246 = arith.addf %add3A_244, %slice3A_245 : vector<8x512xf32>
      %slice3A_247 = vector.extract_strided_slice %transpose3A_229 {offsets = [72, 0], sizes = [8, 512], strides = [1, 1]} : vector<128x512xf32> to vector<8x512xf32>
      %add3A_248 = arith.addf %add3A_246, %slice3A_247 : vector<8x512xf32>
      %slice3A_249 = vector.extract_strided_slice %transpose3A_229 {offsets = [80, 0], sizes = [8, 512], strides = [1, 1]} : vector<128x512xf32> to vector<8x512xf32>
      %add3A_250 = arith.addf %add3A_248, %slice3A_249 : vector<8x512xf32>
      %slice3A_251 = vector.extract_strided_slice %transpose3A_229 {offsets = [88, 0], sizes = [8, 512], strides = [1, 1]} : vector<128x512xf32> to vector<8x512xf32>
      %add3A_252 = arith.addf %add3A_250, %slice3A_251 : vector<8x512xf32>
      %slice3A_253 = vector.extract_strided_slice %transpose3A_229 {offsets = [96, 0], sizes = [8, 512], strides = [1, 1]} : vector<128x512xf32> to vector<8x512xf32>
      %add3A_254 = arith.addf %add3A_252, %slice3A_253 : vector<8x512xf32>
      %slice3A_255 = vector.extract_strided_slice %transpose3A_229 {offsets = [104, 0], sizes = [8, 512], strides = [1, 1]} : vector<128x512xf32> to vector<8x512xf32>
      %add3A_256 = arith.addf %add3A_254, %slice3A_255 : vector<8x512xf32>
      %slice3A_257 = vector.extract_strided_slice %transpose3A_229 {offsets = [112, 0], sizes = [8, 512], strides = [1, 1]} : vector<128x512xf32> to vector<8x512xf32>
      %add3A_258 = arith.addf %add3A_256, %slice3A_257 : vector<8x512xf32>
      %slice3A_259 = vector.extract_strided_slice %transpose3A_229 {offsets = [120, 0], sizes = [8, 512], strides = [1, 1]} : vector<128x512xf32> to vector<8x512xf32>
      %add3A_260 = arith.addf %add3A_258, %slice3A_259 : vector<8x512xf32>
      %slice3A_261 = vector.extract_strided_slice %add3A_260 {offsets = [0, 0], sizes = [4, 512], strides = [1, 1]} : vector<8x512xf32> to vector<4x512xf32>
      %slice3A_262 = vector.extract_strided_slice %add3A_260 {offsets = [4, 0], sizes = [4, 512], strides = [1, 1]} : vector<8x512xf32> to vector<4x512xf32>
      %add3A_263 = arith.addf %slice3A_261, %slice3A_262 : vector<4x512xf32>
      %slice3A_264 = vector.extract_strided_slice %add3A_263 {offsets = [0, 0], sizes = [2, 512], strides = [1, 1]} : vector<4x512xf32> to vector<2x512xf32>
      %slice3A_265 = vector.extract_strided_slice %add3A_263 {offsets = [2, 0], sizes = [2, 512], strides = [1, 1]} : vector<4x512xf32> to vector<2x512xf32>
      %add3A_266 = arith.addf %slice3A_264, %slice3A_265 : vector<2x512xf32>
      %slice3A_267 = vector.extract_strided_slice %add3A_266 {offsets = [0, 0], sizes = [1, 512], strides = [1, 1]} : vector<2x512xf32> to vector<1x512xf32>
      %slice3A_268 = vector.extract_strided_slice %add3A_266 {offsets = [1, 0], sizes = [1, 512], strides = [1, 1]} : vector<2x512xf32> to vector<1x512xf32>
      %add3A_269 = arith.addf %slice3A_267, %slice3A_268 : vector<1x512xf32>
      %mul3A_270 = arith.constant 512 : i32
      %mul3A_271 = arith.muli %scan3A_219, %mul3A_270 : i32
      %swap3A_272 = arith.constant 0 : index
      %swap3A_273 = arith.index_cast %mul3A_271 : i32 to index
      %swap3A_274 = vector.load %arg7[%swap3A_272, %swap3A_273] : memref<1x8192xf32, #tpu.memory_space<vmem>>, vector<1x512xf32>
      tpu.vector_store %arg7[%swap3A_272, %swap3A_273], %add3A_269 {strides = array<i32>} : memref<1x8192xf32, #tpu.memory_space<vmem>>, vector<1x512xf32>,
      %scan3A_275 = arith.constant 1 : i32
      %mul3A_276 = arith.constant 512 : i32
      %mul3A_277 = arith.muli %scan3A_275, %mul3A_276 : i32
      %get3A_278 = arith.index_cast %mul3A_277 : i32 to index
      %get3A_279 = arith.constant 0 : index
      %get3A_280 = vector.load %arg2[%get3A_278, %get3A_279] : memref<8192x256xf32, #tpu.memory_space<vmem>>, vector<512x256xf32>
      %mul3A_281 = arith.mulf %get3A_280, %get3A_280 : vector<512x256xf32>
      %slice3A_282 = vector.extract_strided_slice %mul3A_281 {offsets = [0, 0], sizes = [512, 128], strides = [1, 1]} : vector<512x256xf32> to vector<512x128xf32>
      %slice3A_283 = vector.extract_strided_slice %mul3A_281 {offsets = [0, 128], sizes = [512, 128], strides = [1, 1]} : vector<512x256xf32> to vector<512x128xf32>
      %add3A_284 = arith.addf %slice3A_282, %slice3A_283 : vector<512x128xf32>
      %transpose3A_285 = tpu.transpose %add3A_284, [1, 0] : vector<512x128xf32> -> vector<128x512xf32>
      %slice3A_286 = vector.extract_strided_slice %transpose3A_285 {offsets = [0, 0], sizes = [8, 512], strides = [1, 1]} : vector<128x512xf32> to vector<8x512xf32>
      %slice3A_287 = vector.extract_strided_slice %transpose3A_285 {offsets = [8, 0], sizes = [8, 512], strides = [1, 1]} : vector<128x512xf32> to vector<8x512xf32>
      %add3A_288 = arith.addf %slice3A_286, %slice3A_287 : vector<8x512xf32>
      %slice3A_289 = vector.extract_strided_slice %transpose3A_285 {offsets = [16, 0], sizes = [8, 512], strides = [1, 1]} : vector<128x512xf32> to vector<8x512xf32>
      %add3A_290 = arith.addf %add3A_288, %slice3A_289 : vector<8x512xf32>
      %slice3A_291 = vector.extract_strided_slice %transpose3A_285 {offsets = [24, 0], sizes = [8, 512], strides = [1, 1]} : vector<128x512xf32> to vector<8x512xf32>
      %add3A_292 = arith.addf %add3A_290, %slice3A_291 : vector<8x512xf32>
      %slice3A_293 = vector.extract_strided_slice %transpose3A_285 {offsets = [32, 0], sizes = [8, 512], strides = [1, 1]} : vector<128x512xf32> to vector<8x512xf32>
      %add3A_294 = arith.addf %add3A_292, %slice3A_293 : vector<8x512xf32>
      %slice3A_295 = vector.extract_strided_slice %transpose3A_285 {offsets = [40, 0], sizes = [8, 512], strides = [1, 1]} : vector<128x512xf32> to vector<8x512xf32>
      %add3A_296 = arith.addf %add3A_294, %slice3A_295 : vector<8x512xf32>
      %slice3A_297 = vector.extract_strided_slice %transpose3A_285 {offsets = [48, 0], sizes = [8, 512], strides = [1, 1]} : vector<128x512xf32> to vector<8x512xf32>
      %add3A_298 = arith.addf %add3A_296, %slice3A_297 : vector<8x512xf32>
      %slice3A_299 = vector.extract_strided_slice %transpose3A_285 {offsets = [56, 0], sizes = [8, 512], strides = [1, 1]} : vector<128x512xf32> to vector<8x512xf32>
      %add3A_300 = arith.addf %add3A_298, %slice3A_299 : vector<8x512xf32>
      %slice3A_301 = vector.extract_strided_slice %transpose3A_285 {offsets = [64, 0], sizes = [8, 512], strides = [1, 1]} : vector<128x512xf32> to vector<8x512xf32>
      %add3A_302 = arith.addf %add3A_300, %slice3A_301 : vector<8x512xf32>
      %slice3A_303 = vector.extract_strided_slice %transpose3A_285 {offsets = [72, 0], sizes = [8, 512], strides = [1, 1]} : vector<128x512xf32> to vector<8x512xf32>
      %add3A_304 = arith.addf %add3A_302, %slice3A_303 : vector<8x512xf32>
      %slice3A_305 = vector.extract_strided_slice %transpose3A_285 {offsets = [80, 0], sizes = [8, 512], strides = [1, 1]} : vector<128x512xf32> to vector<8x512xf32>
      %add3A_306 = arith.addf %add3A_304, %slice3A_305 : vector<8x512xf32>
      %slice3A_307 = vector.extract_strided_slice %transpose3A_285 {offsets = [88, 0], sizes = [8, 512], strides = [1, 1]} : vector<128x512xf32> to vector<8x512xf32>
      %add3A_308 = arith.addf %add3A_306, %slice3A_307 : vector<8x512xf32>
      %slice3A_309 = vector.extract_strided_slice %transpose3A_285 {offsets = [96, 0], sizes = [8, 512], strides = [1, 1]} : vector<128x512xf32> to vector<8x512xf32>
      %add3A_310 = arith.addf %add3A_308, %slice3A_309 : vector<8x512xf32>
      %slice3A_311 = vector.extract_strided_slice %transpose3A_285 {offsets = [104, 0], sizes = [8, 512], strides = [1, 1]} : vector<128x512xf32> to vector<8x512xf32>
      %add3A_312 = arith.addf %add3A_310, %slice3A_311 : vector<8x512xf32>
      %slice3A_313 = vector.extract_strided_slice %transpose3A_285 {offsets = [112, 0], sizes = [8, 512], strides = [1, 1]} : vector<128x512xf32> to vector<8x512xf32>
      %add3A_314 = arith.addf %add3A_312, %slice3A_313 : vector<8x512xf32>
      %slice3A_315 = vector.extract_strided_slice %transpose3A_285 {offsets = [120, 0], sizes = [8, 512], strides = [1, 1]} : vector<128x512xf32> to vector<8x512xf32>
      %add3A_316 = arith.addf %add3A_314, %slice3A_315 : vector<8x512xf32>
      %slice3A_317 = vector.extract_strided_slice %add3A_316 {offsets = [0, 0], sizes = [4, 512], strides = [1, 1]} : vector<8x512xf32> to vector<4x512xf32>
      %slice3A_318 = vector.extract_strided_slice %add3A_316 {offsets = [4, 0], sizes = [4, 512], strides = [1, 1]} : vector<8x512xf32> to vector<4x512xf32>
      %add3A_319 = arith.addf %slice3A_317, %slice3A_318 : vector<4x512xf32>
      %slice3A_320 = vector.extract_strided_slice %add3A_319 {offsets = [0, 0], sizes = [2, 512], strides = [1, 1]} : vector<4x512xf32> to vector<2x512xf32>
      %slice3A_321 = vector.extract_strided_slice %add3A_319 {offsets = [2, 0], sizes = [2, 512], strides = [1, 1]} : vector<4x512xf32> to vector<2x512xf32>
      %add3A_322 = arith.addf %slice3A_320, %slice3A_321 : vector<2x512xf32>
      %slice3A_323 = vector.extract_strided_slice %add3A_322 {offsets = [0, 0], sizes = [1, 512], strides = [1, 1]} : vector<2x512xf32> to vector<1x512xf32>
      %slice3A_324 = vector.extract_strided_slice %add3A_322 {offsets = [1, 0], sizes = [1, 512], strides = [1, 1]} : vector<2x512xf32> to vector<1x512xf32>
      %add3A_325 = arith.addf %slice3A_323, %slice3A_324 : vector<1x512xf32>
      %mul3A_326 = arith.constant 512 : i32
      %mul3A_327 = arith.muli %scan3A_275, %mul3A_326 : i32
      %swap3A_328 = arith.constant 0 : index
      %swap3A_329 = arith.index_cast %mul3A_327 : i32 to index
      %swap3A_330 = vector.load %arg7[%swap3A_328, %swap3A_329] : memref<1x8192xf32, #tpu.memory_space<vmem>>, vector<1x512xf32>
      tpu.vector_store %arg7[%swap3A_328, %swap3A_329], %add3A_325 {strides = array<i32>} : memref<1x8192xf32, #tpu.memory_space<vmem>>, vector<1x512xf32>,
      %scan3A_331 = arith.constant 2 : i32
      %mul3A_332 = arith.constant 512 : i32
      %mul3A_333 = arith.muli %scan3A_331, %mul3A_332 : i32
      %get3A_334 = arith.index_cast %mul3A_333 : i32 to index
      %get3A_335 = arith.constant 0 : index
      %get3A_336 = vector.load %arg2[%get3A_334, %get3A_335] : memref<8192x256xf32, #tpu.memory_space<vmem>>, vector<512x256xf32>
      %mul3A_337 = arith.mulf %get3A_336, %get3A_336 : vector<512x256xf32>
      %slice3A_338 = vector.extract_strided_slice %mul3A_337 {offsets = [0, 0], sizes = [512, 128], strides = [1, 1]} : vector<512x256xf32> to vector<512x128xf32>
      %slice3A_339 = vector.extract_strided_slice %mul3A_337 {offsets = [0, 128], sizes = [512, 128], strides = [1, 1]} : vector<512x256xf32> to vector<512x128xf32>
      %add3A_340 = arith.addf %slice3A_338, %slice3A_339 : vector<512x128xf32>
      %transpose3A_341 = tpu.transpose %add3A_340, [1, 0] : vector<512x128xf32> -> vector<128x512xf32>
      %slice3A_342 = vector.extract_strided_slice %transpose3A_341 {offsets = [0, 0], sizes = [8, 512], strides = [1, 1]} : vector<128x512xf32> to vector<8x512xf32>
      %slice3A_343 = vector.extract_strided_slice %transpose3A_341 {offsets = [8, 0], sizes = [8, 512], strides = [1, 1]} : vector<128x512xf32> to vector<8x512xf32>
      %add3A_344 = arith.addf %slice3A_342, %slice3A_343 : vector<8x512xf32>
      %slice3A_345 = vector.extract_strided_slice %transpose3A_341 {offsets = [16, 0], sizes = [8, 512], strides = [1, 1]} : vector<128x512xf32> to vector<8x512xf32>
      %add3A_346 = arith.addf %add3A_344, %slice3A_345 : vector<8x512xf32>
      %slice3A_347 = vector.extract_strided_slice %transpose3A_341 {offsets = [24, 0], sizes = [8, 512], strides = [1, 1]} : vector<128x512xf32> to vector<8x512xf32>
      %add3A_348 = arith.addf %add3A_346, %slice3A_347 : vector<8x512xf32>
      %slice3A_349 = vector.extract_strided_slice %transpose3A_341 {offsets = [32, 0], sizes = [8, 512], strides = [1, 1]} : vector<128x512xf32> to vector<8x512xf32>
      %add3A_350 = arith.addf %add3A_348, %slice3A_349 : vector<8x512xf32>
      %slice3A_351 = vector.extract_strided_slice %transpose3A_341 {offsets = [40, 0], sizes = [8, 512], strides = [1, 1]} : vector<128x512xf32> to vector<8x512xf32>
      %add3A_352 = arith.addf %add3A_350, %slice3A_351 : vector<8x512xf32>
      %slice3A_353 = vector.extract_strided_slice %transpose3A_341 {offsets = [48, 0], sizes = [8, 512], strides = [1, 1]} : vector<128x512xf32> to vector<8x512xf32>
      %add3A_354 = arith.addf %add3A_352, %slice3A_353 : vector<8x512xf32>
      %slice3A_355 = vector.extract_strided_slice %transpose3A_341 {offsets = [56, 0], sizes = [8, 512], strides = [1, 1]} : vector<128x512xf32> to vector<8x512xf32>
      %add3A_356 = arith.addf %add3A_354, %slice3A_355 : vector<8x512xf32>
      %slice3A_357 = vector.extract_strided_slice %transpose3A_341 {offsets = [64, 0], sizes = [8, 512], strides = [1, 1]} : vector<128x512xf32> to vector<8x512xf32>
      %add3A_358 = arith.addf %add3A_356, %slice3A_357 : vector<8x512xf32>
      %slice3A_359 = vector.extract_strided_slice %transpose3A_341 {offsets = [72, 0], sizes = [8, 512], strides = [1, 1]} : vector<128x512xf32> to vector<8x512xf32>
      %add3A_360 = arith.addf %add3A_358, %slice3A_359 : vector<8x512xf32>
      %slice3A_361 = vector.extract_strided_slice %transpose3A_341 {offsets = [80, 0], sizes = [8, 512], strides = [1, 1]} : vector<128x512xf32> to vector<8x512xf32>
      %add3A_362 = arith.addf %add3A_360, %slice3A_361 : vector<8x512xf32>
      %slice3A_363 = vector.extract_strided_slice %transpose3A_341 {offsets = [88, 0], sizes = [8, 512], strides = [1, 1]} : vector<128x512xf32> to vector<8x512xf32>
      %add3A_364 = arith.addf %add3A_362, %slice3A_363 : vector<8x512xf32>
      %slice3A_365 = vector.extract_strided_slice %transpose3A_341 {offsets = [96, 0], sizes = [8, 512], strides = [1, 1]} : vector<128x512xf32> to vector<8x512xf32>
      %add3A_366 = arith.addf %add3A_364, %slice3A_365 : vector<8x512xf32>
      %slice3A_367 = vector.extract_strided_slice %transpose3A_341 {offsets = [104, 0], sizes = [8, 512], strides = [1, 1]} : vector<128x512xf32> to vector<8x512xf32>
      %add3A_368 = arith.addf %add3A_366, %slice3A_367 : vector<8x512xf32>
      %slice3A_369 = vector.extract_strided_slice %transpose3A_341 {offsets = [112, 0], sizes = [8, 512], strides = [1, 1]} : vector<128x512xf32> to vector<8x512xf32>
      %add3A_370 = arith.addf %add3A_368, %slice3A_369 : vector<8x512xf32>
      %slice3A_371 = vector.extract_strided_slice %transpose3A_341 {offsets = [120, 0], sizes = [8, 512], strides = [1, 1]} : vector<128x512xf32> to vector<8x512xf32>
      %add3A_372 = arith.addf %add3A_370, %slice3A_371 : vector<8x512xf32>
      %slice3A_373 = vector.extract_strided_slice %add3A_372 {offsets = [0, 0], sizes = [4, 512], strides = [1, 1]} : vector<8x512xf32> to vector<4x512xf32>
      %slice3A_374 = vector.extract_strided_slice %add3A_372 {offsets = [4, 0], sizes = [4, 512], strides = [1, 1]} : vector<8x512xf32> to vector<4x512xf32>
      %add3A_375 = arith.addf %slice3A_373, %slice3A_374 : vector<4x512xf32>
      %slice3A_376 = vector.extract_strided_slice %add3A_375 {offsets = [0, 0], sizes = [2, 512], strides = [1, 1]} : vector<4x512xf32> to vector<2x512xf32>
      %slice3A_377 = vector.extract_strided_slice %add3A_375 {offsets = [2, 0], sizes = [2, 512], strides = [1, 1]} : vector<4x512xf32> to vector<2x512xf32>
      %add3A_378 = arith.addf %slice3A_376, %slice3A_377 : vector<2x512xf32>
      %slice3A_379 = vector.extract_strided_slice %add3A_378 {offsets = [0, 0], sizes = [1, 512], strides = [1, 1]} : vector<2x512xf32> to vector<1x512xf32>
      %slice3A_380 = vector.extract_strided_slice %add3A_378 {offsets = [1, 0], sizes = [1, 512], strides = [1, 1]} : vector<2x512xf32> to vector<1x512xf32>
      %add3A_381 = arith.addf %slice3A_379, %slice3A_380 : vector<1x512xf32>
      %mul3A_382 = arith.constant 512 : i32
      %mul3A_383 = arith.muli %scan3A_331, %mul3A_382 : i32
      %swap3A_384 = arith.constant 0 : index
      %swap3A_385 = arith.index_cast %mul3A_383 : i32 to index
      %swap3A_386 = vector.load %arg7[%swap3A_384, %swap3A_385] : memref<1x8192xf32, #tpu.memory_space<vmem>>, vector<1x512xf32>
      tpu.vector_store %arg7[%swap3A_384, %swap3A_385], %add3A_381 {strides = array<i32>} : memref<1x8192xf32, #tpu.memory_space<vmem>>, vector<1x512xf32>,
      %scan3A_387 = arith.constant 3 : i32
      %mul3A_388 = arith.constant 512 : i32
      %mul3A_389 = arith.muli %scan3A_387, %mul3A_388 : i32
      %get3A_390 = arith.index_cast %mul3A_389 : i32 to index
      %get3A_391 = arith.constant 0 : index
      %get3A_392 = vector.load %arg2[%get3A_390, %get3A_391] : memref<8192x256xf32, #tpu.memory_space<vmem>>, vector<512x256xf32>
      %mul3A_393 = arith.mulf %get3A_392, %get3A_392 : vector<512x256xf32>
      %slice3A_394 = vector.extract_strided_slice %mul3A_393 {offsets = [0, 0], sizes = [512, 128], strides = [1, 1]} : vector<512x256xf32> to vector<512x128xf32>
      %slice3A_395 = vector.extract_strided_slice %mul3A_393 {offsets = [0, 128], sizes = [512, 128], strides = [1, 1]} : vector<512x256xf32> to vector<512x128xf32>
      %add3A_396 = arith.addf %slice3A_394, %slice3A_395 : vector<512x128xf32>
      %transpose3A_397 = tpu.transpose %add3A_396, [1, 0] : vector<512x128xf32> -> vector<128x512xf32>
      %slice3A_398 = vector.extract_strided_slice %transpose3A_397 {offsets = [0, 0], sizes = [8, 512], strides = [1, 1]} : vector<128x512xf32> to vector<8x512xf32>
      %slice3A_399 = vector.extract_strided_slice %transpose3A_397 {offsets = [8, 0], sizes = [8, 512], strides = [1, 1]} : vector<128x512xf32> to vector<8x512xf32>
      %add3A_400 = arith.addf %slice3A_398, %slice3A_399 : vector<8x512xf32>
      %slice3A_401 = vector.extract_strided_slice %transpose3A_397 {offsets = [16, 0], sizes = [8, 512], strides = [1, 1]} : vector<128x512xf32> to vector<8x512xf32>
      %add3A_402 = arith.addf %add3A_400, %slice3A_401 : vector<8x512xf32>
      %slice3A_403 = vector.extract_strided_slice %transpose3A_397 {offsets = [24, 0], sizes = [8, 512], strides = [1, 1]} : vector<128x512xf32> to vector<8x512xf32>
      %add3A_404 = arith.addf %add3A_402, %slice3A_403 : vector<8x512xf32>
      %slice3A_405 = vector.extract_strided_slice %transpose3A_397 {offsets = [32, 0], sizes = [8, 512], strides = [1, 1]} : vector<128x512xf32> to vector<8x512xf32>
      %add3A_406 = arith.addf %add3A_404, %slice3A_405 : vector<8x512xf32>
      %slice3A_407 = vector.extract_strided_slice %transpose3A_397 {offsets = [40, 0], sizes = [8, 512], strides = [1, 1]} : vector<128x512xf32> to vector<8x512xf32>
      %add3A_408 = arith.addf %add3A_406, %slice3A_407 : vector<8x512xf32>
      %slice3A_409 = vector.extract_strided_slice %transpose3A_397 {offsets = [48, 0], sizes = [8, 512], strides = [1, 1]} : vector<128x512xf32> to vector<8x512xf32>
      %add3A_410 = arith.addf %add3A_408, %slice3A_409 : vector<8x512xf32>
      %slice3A_411 = vector.extract_strided_slice %transpose3A_397 {offsets = [56, 0], sizes = [8, 512], strides = [1, 1]} : vector<128x512xf32> to vector<8x512xf32>
      %add3A_412 = arith.addf %add3A_410, %slice3A_411 : vector<8x512xf32>
      %slice3A_413 = vector.extract_strided_slice %transpose3A_397 {offsets = [64, 0], sizes = [8, 512], strides = [1, 1]} : vector<128x512xf32> to vector<8x512xf32>
      %add3A_414 = arith.addf %add3A_412, %slice3A_413 : vector<8x512xf32>
      %slice3A_415 = vector.extract_strided_slice %transpose3A_397 {offsets = [72, 0], sizes = [8, 512], strides = [1, 1]} : vector<128x512xf32> to vector<8x512xf32>
      %add3A_416 = arith.addf %add3A_414, %slice3A_415 : vector<8x512xf32>
      %slice3A_417 = vector.extract_strided_slice %transpose3A_397 {offsets = [80, 0], sizes = [8, 512], strides = [1, 1]} : vector<128x512xf32> to vector<8x512xf32>
      %add3A_418 = arith.addf %add3A_416, %slice3A_417 : vector<8x512xf32>
      %slice3A_419 = vector.extract_strided_slice %transpose3A_397 {offsets = [88, 0], sizes = [8, 512], strides = [1, 1]} : vector<128x512xf32> to vector<8x512xf32>
      %add3A_420 = arith.addf %add3A_418, %slice3A_419 : vector<8x512xf32>
      %slice3A_421 = vector.extract_strided_slice %transpose3A_397 {offsets = [96, 0], sizes = [8, 512], strides = [1, 1]} : vector<128x512xf32> to vector<8x512xf32>
      %add3A_422 = arith.addf %add3A_420, %slice3A_421 : vector<8x512xf32>
      %slice3A_423 = vector.extract_strided_slice %transpose3A_397 {offsets = [104, 0], sizes = [8, 512], strides = [1, 1]} : vector<128x512xf32> to vector<8x512xf32>
      %add3A_424 = arith.addf %add3A_422, %slice3A_423 : vector<8x512xf32>
      %slice3A_425 = vector.extract_strided_slice %transpose3A_397 {offsets = [112, 0], sizes = [8, 512], strides = [1, 1]} : vector<128x512xf32> to vector<8x512xf32>
      %add3A_426 = arith.addf %add3A_424, %slice3A_425 : vector<8x512xf32>
      %slice3A_427 = vector.extract_strided_slice %transpose3A_397 {offsets = [120, 0], sizes = [8, 512], strides = [1, 1]} : vector<128x512xf32> to vector<8x512xf32>
      %add3A_428 = arith.addf %add3A_426, %slice3A_427 : vector<8x512xf32>
      %slice3A_429 = vector.extract_strided_slice %add3A_428 {offsets = [0, 0], sizes = [4, 512], strides = [1, 1]} : vector<8x512xf32> to vector<4x512xf32>
      %slice3A_430 = vector.extract_strided_slice %add3A_428 {offsets = [4, 0], sizes = [4, 512], strides = [1, 1]} : vector<8x512xf32> to vector<4x512xf32>
      %add3A_431 = arith.addf %slice3A_429, %slice3A_430 : vector<4x512xf32>
      %slice3A_432 = vector.extract_strided_slice %add3A_431 {offsets = [0, 0], sizes = [2, 512], strides = [1, 1]} : vector<4x512xf32> to vector<2x512xf32>
      %slice3A_433 = vector.extract_strided_slice %add3A_431 {offsets = [2, 0], sizes = [2, 512], strides = [1, 1]} : vector<4x512xf32> to vector<2x512xf32>
      %add3A_434 = arith.addf %slice3A_432, %slice3A_433 : vector<2x512xf32>
      %slice3A_435 = vector.extract_strided_slice %add3A_434 {offsets = [0, 0], sizes = [1, 512], strides = [1, 1]} : vector<2x512xf32> to vector<1x512xf32>
      %slice3A_436 = vector.extract_strided_slice %add3A_434 {offsets = [1, 0], sizes = [1, 512], strides = [1, 1]} : vector<2x512xf32> to vector<1x512xf32>
      %add3A_437 = arith.addf %slice3A_435, %slice3A_436 : vector<1x512xf32>
      %mul3A_438 = arith.constant 512 : i32
      %mul3A_439 = arith.muli %scan3A_387, %mul3A_438 : i32
      %swap3A_440 = arith.constant 0 : index
      %swap3A_441 = arith.index_cast %mul3A_439 : i32 to index
      %swap3A_442 = vector.load %arg7[%swap3A_440, %swap3A_441] : memref<1x8192xf32, #tpu.memory_space<vmem>>, vector<1x512xf32>
      tpu.vector_store %arg7[%swap3A_440, %swap3A_441], %add3A_437 {strides = array<i32>} : memref<1x8192xf32, #tpu.memory_space<vmem>>, vector<1x512xf32>,
      %scan3A_443 = arith.constant 4 : i32
      %mul3A_444 = arith.constant 512 : i32
      %mul3A_445 = arith.muli %scan3A_443, %mul3A_444 : i32
      %get3A_446 = arith.index_cast %mul3A_445 : i32 to index
      %get3A_447 = arith.constant 0 : index
      %get3A_448 = vector.load %arg2[%get3A_446, %get3A_447] : memref<8192x256xf32, #tpu.memory_space<vmem>>, vector<512x256xf32>
      %mul3A_449 = arith.mulf %get3A_448, %get3A_448 : vector<512x256xf32>
      %slice3A_450 = vector.extract_strided_slice %mul3A_449 {offsets = [0, 0], sizes = [512, 128], strides = [1, 1]} : vector<512x256xf32> to vector<512x128xf32>
      %slice3A_451 = vector.extract_strided_slice %mul3A_449 {offsets = [0, 128], sizes = [512, 128], strides = [1, 1]} : vector<512x256xf32> to vector<512x128xf32>
      %add3A_452 = arith.addf %slice3A_450, %slice3A_451 : vector<512x128xf32>
      %transpose3A_453 = tpu.transpose %add3A_452, [1, 0] : vector<512x128xf32> -> vector<128x512xf32>
      %slice3A_454 = vector.extract_strided_slice %transpose3A_453 {offsets = [0, 0], sizes = [8, 512], strides = [1, 1]} : vector<128x512xf32> to vector<8x512xf32>
      %slice3A_455 = vector.extract_strided_slice %transpose3A_453 {offsets = [8, 0], sizes = [8, 512], strides = [1, 1]} : vector<128x512xf32> to vector<8x512xf32>
      %add3A_456 = arith.addf %slice3A_454, %slice3A_455 : vector<8x512xf32>
      %slice3A_457 = vector.extract_strided_slice %transpose3A_453 {offsets = [16, 0], sizes = [8, 512], strides = [1, 1]} : vector<128x512xf32> to vector<8x512xf32>
      %add3A_458 = arith.addf %add3A_456, %slice3A_457 : vector<8x512xf32>
      %slice3A_459 = vector.extract_strided_slice %transpose3A_453 {offsets = [24, 0], sizes = [8, 512], strides = [1, 1]} : vector<128x512xf32> to vector<8x512xf32>
      %add3A_460 = arith.addf %add3A_458, %slice3A_459 : vector<8x512xf32>
      %slice3A_461 = vector.extract_strided_slice %transpose3A_453 {offsets = [32, 0], sizes = [8, 512], strides = [1, 1]} : vector<128x512xf32> to vector<8x512xf32>
      %add3A_462 = arith.addf %add3A_460, %slice3A_461 : vector<8x512xf32>
      %slice3A_463 = vector.extract_strided_slice %transpose3A_453 {offsets = [40, 0], sizes = [8, 512], strides = [1, 1]} : vector<128x512xf32> to vector<8x512xf32>
      %add3A_464 = arith.addf %add3A_462, %slice3A_463 : vector<8x512xf32>
      %slice3A_465 = vector.extract_strided_slice %transpose3A_453 {offsets = [48, 0], sizes = [8, 512], strides = [1, 1]} : vector<128x512xf32> to vector<8x512xf32>
      %add3A_466 = arith.addf %add3A_464, %slice3A_465 : vector<8x512xf32>
      %slice3A_467 = vector.extract_strided_slice %transpose3A_453 {offsets = [56, 0], sizes = [8, 512], strides = [1, 1]} : vector<128x512xf32> to vector<8x512xf32>
      %add3A_468 = arith.addf %add3A_466, %slice3A_467 : vector<8x512xf32>
      %slice3A_469 = vector.extract_strided_slice %transpose3A_453 {offsets = [64, 0], sizes = [8, 512], strides = [1, 1]} : vector<128x512xf32> to vector<8x512xf32>
      %add3A_470 = arith.addf %add3A_468, %slice3A_469 : vector<8x512xf32>
      %slice3A_471 = vector.extract_strided_slice %transpose3A_453 {offsets = [72, 0], sizes = [8, 512], strides = [1, 1]} : vector<128x512xf32> to vector<8x512xf32>
      %add3A_472 = arith.addf %add3A_470, %slice3A_471 : vector<8x512xf32>
      %slice3A_473 = vector.extract_strided_slice %transpose3A_453 {offsets = [80, 0], sizes = [8, 512], strides = [1, 1]} : vector<128x512xf32> to vector<8x512xf32>
      %add3A_474 = arith.addf %add3A_472, %slice3A_473 : vector<8x512xf32>
      %slice3A_475 = vector.extract_strided_slice %transpose3A_453 {offsets = [88, 0], sizes = [8, 512], strides = [1, 1]} : vector<128x512xf32> to vector<8x512xf32>
      %add3A_476 = arith.addf %add3A_474, %slice3A_475 : vector<8x512xf32>
      %slice3A_477 = vector.extract_strided_slice %transpose3A_453 {offsets = [96, 0], sizes = [8, 512], strides = [1, 1]} : vector<128x512xf32> to vector<8x512xf32>
      %add3A_478 = arith.addf %add3A_476, %slice3A_477 : vector<8x512xf32>
      %slice3A_479 = vector.extract_strided_slice %transpose3A_453 {offsets = [104, 0], sizes = [8, 512], strides = [1, 1]} : vector<128x512xf32> to vector<8x512xf32>
      %add3A_480 = arith.addf %add3A_478, %slice3A_479 : vector<8x512xf32>
      %slice3A_481 = vector.extract_strided_slice %transpose3A_453 {offsets = [112, 0], sizes = [8, 512], strides = [1, 1]} : vector<128x512xf32> to vector<8x512xf32>
      %add3A_482 = arith.addf %add3A_480, %slice3A_481 : vector<8x512xf32>
      %slice3A_483 = vector.extract_strided_slice %transpose3A_453 {offsets = [120, 0], sizes = [8, 512], strides = [1, 1]} : vector<128x512xf32> to vector<8x512xf32>
      %add3A_484 = arith.addf %add3A_482, %slice3A_483 : vector<8x512xf32>
      %slice3A_485 = vector.extract_strided_slice %add3A_484 {offsets = [0, 0], sizes = [4, 512], strides = [1, 1]} : vector<8x512xf32> to vector<4x512xf32>
      %slice3A_486 = vector.extract_strided_slice %add3A_484 {offsets = [4, 0], sizes = [4, 512], strides = [1, 1]} : vector<8x512xf32> to vector<4x512xf32>
      %add3A_487 = arith.addf %slice3A_485, %slice3A_486 : vector<4x512xf32>
      %slice3A_488 = vector.extract_strided_slice %add3A_487 {offsets = [0, 0], sizes = [2, 512], strides = [1, 1]} : vector<4x512xf32> to vector<2x512xf32>
      %slice3A_489 = vector.extract_strided_slice %add3A_487 {offsets = [2, 0], sizes = [2, 512], strides = [1, 1]} : vector<4x512xf32> to vector<2x512xf32>
      %add3A_490 = arith.addf %slice3A_488, %slice3A_489 : vector<2x512xf32>
      %slice3A_491 = vector.extract_strided_slice %add3A_490 {offsets = [0, 0], sizes = [1, 512], strides = [1, 1]} : vector<2x512xf32> to vector<1x512xf32>
      %slice3A_492 = vector.extract_strided_slice %add3A_490 {offsets = [1, 0], sizes = [1, 512], strides = [1, 1]} : vector<2x512xf32> to vector<1x512xf32>
      %add3A_493 = arith.addf %slice3A_491, %slice3A_492 : vector<1x512xf32>
      %mul3A_494 = arith.constant 512 : i32
      %mul3A_495 = arith.muli %scan3A_443, %mul3A_494 : i32
      %swap3A_496 = arith.constant 0 : index
      %swap3A_497 = arith.index_cast %mul3A_495 : i32 to index
      %swap3A_498 = vector.load %arg7[%swap3A_496, %swap3A_497] : memref<1x8192xf32, #tpu.memory_space<vmem>>, vector<1x512xf32>
      tpu.vector_store %arg7[%swap3A_496, %swap3A_497], %add3A_493 {strides = array<i32>} : memref<1x8192xf32, #tpu.memory_space<vmem>>, vector<1x512xf32>,
      %scan3A_499 = arith.constant 5 : i32
      %mul3A_500 = arith.constant 512 : i32
      %mul3A_501 = arith.muli %scan3A_499, %mul3A_500 : i32
      %get3A_502 = arith.index_cast %mul3A_501 : i32 to index
      %get3A_503 = arith.constant 0 : index
      %get3A_504 = vector.load %arg2[%get3A_502, %get3A_503] : memref<8192x256xf32, #tpu.memory_space<vmem>>, vector<512x256xf32>
      %mul3A_505 = arith.mulf %get3A_504, %get3A_504 : vector<512x256xf32>
      %slice3A_506 = vector.extract_strided_slice %mul3A_505 {offsets = [0, 0], sizes = [512, 128], strides = [1, 1]} : vector<512x256xf32> to vector<512x128xf32>
      %slice3A_507 = vector.extract_strided_slice %mul3A_505 {offsets = [0, 128], sizes = [512, 128], strides = [1, 1]} : vector<512x256xf32> to vector<512x128xf32>
      %add3A_508 = arith.addf %slice3A_506, %slice3A_507 : vector<512x128xf32>
      %transpose3A_509 = tpu.transpose %add3A_508, [1, 0] : vector<512x128xf32> -> vector<128x512xf32>
      %slice3A_510 = vector.extract_strided_slice %transpose3A_509 {offsets = [0, 0], sizes = [8, 512], strides = [1, 1]} : vector<128x512xf32> to vector<8x512xf32>
      %slice3A_511 = vector.extract_strided_slice %transpose3A_509 {offsets = [8, 0], sizes = [8, 512], strides = [1, 1]} : vector<128x512xf32> to vector<8x512xf32>
      %add3A_512 = arith.addf %slice3A_510, %slice3A_511 : vector<8x512xf32>
      %slice3A_513 = vector.extract_strided_slice %transpose3A_509 {offsets = [16, 0], sizes = [8, 512], strides = [1, 1]} : vector<128x512xf32> to vector<8x512xf32>
      %add3A_514 = arith.addf %add3A_512, %slice3A_513 : vector<8x512xf32>
      %slice3A_515 = vector.extract_strided_slice %transpose3A_509 {offsets = [24, 0], sizes = [8, 512], strides = [1, 1]} : vector<128x512xf32> to vector<8x512xf32>
      %add3A_516 = arith.addf %add3A_514, %slice3A_515 : vector<8x512xf32>
      %slice3A_517 = vector.extract_strided_slice %transpose3A_509 {offsets = [32, 0], sizes = [8, 512], strides = [1, 1]} : vector<128x512xf32> to vector<8x512xf32>
      %add3A_518 = arith.addf %add3A_516, %slice3A_517 : vector<8x512xf32>
      %slice3A_519 = vector.extract_strided_slice %transpose3A_509 {offsets = [40, 0], sizes = [8, 512], strides = [1, 1]} : vector<128x512xf32> to vector<8x512xf32>
      %add3A_520 = arith.addf %add3A_518, %slice3A_519 : vector<8x512xf32>
      %slice3A_521 = vector.extract_strided_slice %transpose3A_509 {offsets = [48, 0], sizes = [8, 512], strides = [1, 1]} : vector<128x512xf32> to vector<8x512xf32>
      %add3A_522 = arith.addf %add3A_520, %slice3A_521 : vector<8x512xf32>
      %slice3A_523 = vector.extract_strided_slice %transpose3A_509 {offsets = [56, 0], sizes = [8, 512], strides = [1, 1]} : vector<128x512xf32> to vector<8x512xf32>
      %add3A_524 = arith.addf %add3A_522, %slice3A_523 : vector<8x512xf32>
      %slice3A_525 = vector.extract_strided_slice %transpose3A_509 {offsets = [64, 0], sizes = [8, 512], strides = [1, 1]} : vector<128x512xf32> to vector<8x512xf32>
      %add3A_526 = arith.addf %add3A_524, %slice3A_525 : vector<8x512xf32>
      %slice3A_527 = vector.extract_strided_slice %transpose3A_509 {offsets = [72, 0], sizes = [8, 512], strides = [1, 1]} : vector<128x512xf32> to vector<8x512xf32>
      %add3A_528 = arith.addf %add3A_526, %slice3A_527 : vector<8x512xf32>
      %slice3A_529 = vector.extract_strided_slice %transpose3A_509 {offsets = [80, 0], sizes = [8, 512], strides = [1, 1]} : vector<128x512xf32> to vector<8x512xf32>
      %add3A_530 = arith.addf %add3A_528, %slice3A_529 : vector<8x512xf32>
      %slice3A_531 = vector.extract_strided_slice %transpose3A_509 {offsets = [88, 0], sizes = [8, 512], strides = [1, 1]} : vector<128x512xf32> to vector<8x512xf32>
      %add3A_532 = arith.addf %add3A_530, %slice3A_531 : vector<8x512xf32>
      %slice3A_533 = vector.extract_strided_slice %transpose3A_509 {offsets = [96, 0], sizes = [8, 512], strides = [1, 1]} : vector<128x512xf32> to vector<8x512xf32>
      %add3A_534 = arith.addf %add3A_532, %slice3A_533 : vector<8x512xf32>
      %slice3A_535 = vector.extract_strided_slice %transpose3A_509 {offsets = [104, 0], sizes = [8, 512], strides = [1, 1]} : vector<128x512xf32> to vector<8x512xf32>
      %add3A_536 = arith.addf %add3A_534, %slice3A_535 : vector<8x512xf32>
      %slice3A_537 = vector.extract_strided_slice %transpose3A_509 {offsets = [112, 0], sizes = [8, 512], strides = [1, 1]} : vector<128x512xf32> to vector<8x512xf32>
      %add3A_538 = arith.addf %add3A_536, %slice3A_537 : vector<8x512xf32>
      %slice3A_539 = vector.extract_strided_slice %transpose3A_509 {offsets = [120, 0], sizes = [8, 512], strides = [1, 1]} : vector<128x512xf32> to vector<8x512xf32>
      %add3A_540 = arith.addf %add3A_538, %slice3A_539 : vector<8x512xf32>
      %slice3A_541 = vector.extract_strided_slice %add3A_540 {offsets = [0, 0], sizes = [4, 512], strides = [1, 1]} : vector<8x512xf32> to vector<4x512xf32>
      %slice3A_542 = vector.extract_strided_slice %add3A_540 {offsets = [4, 0], sizes = [4, 512], strides = [1, 1]} : vector<8x512xf32> to vector<4x512xf32>
      %add3A_543 = arith.addf %slice3A_541, %slice3A_542 : vector<4x512xf32>
      %slice3A_544 = vector.extract_strided_slice %add3A_543 {offsets = [0, 0], sizes = [2, 512], strides = [1, 1]} : vector<4x512xf32> to vector<2x512xf32>
      %slice3A_545 = vector.extract_strided_slice %add3A_543 {offsets = [2, 0], sizes = [2, 512], strides = [1, 1]} : vector<4x512xf32> to vector<2x512xf32>
      %add3A_546 = arith.addf %slice3A_544, %slice3A_545 : vector<2x512xf32>
      %slice3A_547 = vector.extract_strided_slice %add3A_546 {offsets = [0, 0], sizes = [1, 512], strides = [1, 1]} : vector<2x512xf32> to vector<1x512xf32>
      %slice3A_548 = vector.extract_strided_slice %add3A_546 {offsets = [1, 0], sizes = [1, 512], strides = [1, 1]} : vector<2x512xf32> to vector<1x512xf32>
      %add3A_549 = arith.addf %slice3A_547, %slice3A_548 : vector<1x512xf32>
      %mul3A_550 = arith.constant 512 : i32
      %mul3A_551 = arith.muli %scan3A_499, %mul3A_550 : i32
      %swap3A_552 = arith.constant 0 : index
      %swap3A_553 = arith.index_cast %mul3A_551 : i32 to index
      %swap3A_554 = vector.load %arg7[%swap3A_552, %swap3A_553] : memref<1x8192xf32, #tpu.memory_space<vmem>>, vector<1x512xf32>
      tpu.vector_store %arg7[%swap3A_552, %swap3A_553], %add3A_549 {strides = array<i32>} : memref<1x8192xf32, #tpu.memory_space<vmem>>, vector<1x512xf32>,
      %scan3A_555 = arith.constant 6 : i32
      %mul3A_556 = arith.constant 512 : i32
      %mul3A_557 = arith.muli %scan3A_555, %mul3A_556 : i32
      %get3A_558 = arith.index_cast %mul3A_557 : i32 to index
      %get3A_559 = arith.constant 0 : index
      %get3A_560 = vector.load %arg2[%get3A_558, %get3A_559] : memref<8192x256xf32, #tpu.memory_space<vmem>>, vector<512x256xf32>
      %mul3A_561 = arith.mulf %get3A_560, %get3A_560 : vector<512x256xf32>
      %slice3A_562 = vector.extract_strided_slice %mul3A_561 {offsets = [0, 0], sizes = [512, 128], strides = [1, 1]} : vector<512x256xf32> to vector<512x128xf32>
      %slice3A_563 = vector.extract_strided_slice %mul3A_561 {offsets = [0, 128], sizes = [512, 128], strides = [1, 1]} : vector<512x256xf32> to vector<512x128xf32>
      %add3A_564 = arith.addf %slice3A_562, %slice3A_563 : vector<512x128xf32>
      %transpose3A_565 = tpu.transpose %add3A_564, [1, 0] : vector<512x128xf32> -> vector<128x512xf32>
      %slice3A_566 = vector.extract_strided_slice %transpose3A_565 {offsets = [0, 0], sizes = [8, 512], strides = [1, 1]} : vector<128x512xf32> to vector<8x512xf32>
      %slice3A_567 = vector.extract_strided_slice %transpose3A_565 {offsets = [8, 0], sizes = [8, 512], strides = [1, 1]} : vector<128x512xf32> to vector<8x512xf32>
      %add3A_568 = arith.addf %slice3A_566, %slice3A_567 : vector<8x512xf32>
      %slice3A_569 = vector.extract_strided_slice %transpose3A_565 {offsets = [16, 0], sizes = [8, 512], strides = [1, 1]} : vector<128x512xf32> to vector<8x512xf32>
      %add3A_570 = arith.addf %add3A_568, %slice3A_569 : vector<8x512xf32>
      %slice3A_571 = vector.extract_strided_slice %transpose3A_565 {offsets = [24, 0], sizes = [8, 512], strides = [1, 1]} : vector<128x512xf32> to vector<8x512xf32>
      %add3A_572 = arith.addf %add3A_570, %slice3A_571 : vector<8x512xf32>
      %slice3A_573 = vector.extract_strided_slice %transpose3A_565 {offsets = [32, 0], sizes = [8, 512], strides = [1, 1]} : vector<128x512xf32> to vector<8x512xf32>
      %add3A_574 = arith.addf %add3A_572, %slice3A_573 : vector<8x512xf32>
      %slice3A_575 = vector.extract_strided_slice %transpose3A_565 {offsets = [40, 0], sizes = [8, 512], strides = [1, 1]} : vector<128x512xf32> to vector<8x512xf32>
      %add3A_576 = arith.addf %add3A_574, %slice3A_575 : vector<8x512xf32>
      %slice3A_577 = vector.extract_strided_slice %transpose3A_565 {offsets = [48, 0], sizes = [8, 512], strides = [1, 1]} : vector<128x512xf32> to vector<8x512xf32>
      %add3A_578 = arith.addf %add3A_576, %slice3A_577 : vector<8x512xf32>
      %slice3A_579 = vector.extract_strided_slice %transpose3A_565 {offsets = [56, 0], sizes = [8, 512], strides = [1, 1]} : vector<128x512xf32> to vector<8x512xf32>
      %add3A_580 = arith.addf %add3A_578, %slice3A_579 : vector<8x512xf32>
      %slice3A_581 = vector.extract_strided_slice %transpose3A_565 {offsets = [64, 0], sizes = [8, 512], strides = [1, 1]} : vector<128x512xf32> to vector<8x512xf32>
      %add3A_582 = arith.addf %add3A_580, %slice3A_581 : vector<8x512xf32>
      %slice3A_583 = vector.extract_strided_slice %transpose3A_565 {offsets = [72, 0], sizes = [8, 512], strides = [1, 1]} : vector<128x512xf32> to vector<8x512xf32>
      %add3A_584 = arith.addf %add3A_582, %slice3A_583 : vector<8x512xf32>
      %slice3A_585 = vector.extract_strided_slice %transpose3A_565 {offsets = [80, 0], sizes = [8, 512], strides = [1, 1]} : vector<128x512xf32> to vector<8x512xf32>
      %add3A_586 = arith.addf %add3A_584, %slice3A_585 : vector<8x512xf32>
      %slice3A_587 = vector.extract_strided_slice %transpose3A_565 {offsets = [88, 0], sizes = [8, 512], strides = [1, 1]} : vector<128x512xf32> to vector<8x512xf32>
      %add3A_588 = arith.addf %add3A_586, %slice3A_587 : vector<8x512xf32>
      %slice3A_589 = vector.extract_strided_slice %transpose3A_565 {offsets = [96, 0], sizes = [8, 512], strides = [1, 1]} : vector<128x512xf32> to vector<8x512xf32>
      %add3A_590 = arith.addf %add3A_588, %slice3A_589 : vector<8x512xf32>
      %slice3A_591 = vector.extract_strided_slice %transpose3A_565 {offsets = [104, 0], sizes = [8, 512], strides = [1, 1]} : vector<128x512xf32> to vector<8x512xf32>
      %add3A_592 = arith.addf %add3A_590, %slice3A_591 : vector<8x512xf32>
      %slice3A_593 = vector.extract_strided_slice %transpose3A_565 {offsets = [112, 0], sizes = [8, 512], strides = [1, 1]} : vector<128x512xf32> to vector<8x512xf32>
      %add3A_594 = arith.addf %add3A_592, %slice3A_593 : vector<8x512xf32>
      %slice3A_595 = vector.extract_strided_slice %transpose3A_565 {offsets = [120, 0], sizes = [8, 512], strides = [1, 1]} : vector<128x512xf32> to vector<8x512xf32>
      %add3A_596 = arith.addf %add3A_594, %slice3A_595 : vector<8x512xf32>
      %slice3A_597 = vector.extract_strided_slice %add3A_596 {offsets = [0, 0], sizes = [4, 512], strides = [1, 1]} : vector<8x512xf32> to vector<4x512xf32>
      %slice3A_598 = vector.extract_strided_slice %add3A_596 {offsets = [4, 0], sizes = [4, 512], strides = [1, 1]} : vector<8x512xf32> to vector<4x512xf32>
      %add3A_599 = arith.addf %slice3A_597, %slice3A_598 : vector<4x512xf32>
      %slice3A_600 = vector.extract_strided_slice %add3A_599 {offsets = [0, 0], sizes = [2, 512], strides = [1, 1]} : vector<4x512xf32> to vector<2x512xf32>
      %slice3A_601 = vector.extract_strided_slice %add3A_599 {offsets = [2, 0], sizes = [2, 512], strides = [1, 1]} : vector<4x512xf32> to vector<2x512xf32>
      %add3A_602 = arith.addf %slice3A_600, %slice3A_601 : vector<2x512xf32>
      %slice3A_603 = vector.extract_strided_slice %add3A_602 {offsets = [0, 0], sizes = [1, 512], strides = [1, 1]} : vector<2x512xf32> to vector<1x512xf32>
      %slice3A_604 = vector.extract_strided_slice %add3A_602 {offsets = [1, 0], sizes = [1, 512], strides = [1, 1]} : vector<2x512xf32> to vector<1x512xf32>
      %add3A_605 = arith.addf %slice3A_603, %slice3A_604 : vector<1x512xf32>
      %mul3A_606 = arith.constant 512 : i32
      %mul3A_607 = arith.muli %scan3A_555, %mul3A_606 : i32
      %swap3A_608 = arith.constant 0 : index
      %swap3A_609 = arith.index_cast %mul3A_607 : i32 to index
      %swap3A_610 = vector.load %arg7[%swap3A_608, %swap3A_609] : memref<1x8192xf32, #tpu.memory_space<vmem>>, vector<1x512xf32>
      tpu.vector_store %arg7[%swap3A_608, %swap3A_609], %add3A_605 {strides = array<i32>} : memref<1x8192xf32, #tpu.memory_space<vmem>>, vector<1x512xf32>,
      %scan3A_611 = arith.constant 7 : i32
      %mul3A_612 = arith.constant 512 : i32
      %mul3A_613 = arith.muli %scan3A_611, %mul3A_612 : i32
      %get3A_614 = arith.index_cast %mul3A_613 : i32 to index
      %get3A_615 = arith.constant 0 : index
      %get3A_616 = vector.load %arg2[%get3A_614, %get3A_615] : memref<8192x256xf32, #tpu.memory_space<vmem>>, vector<512x256xf32>
      %mul3A_617 = arith.mulf %get3A_616, %get3A_616 : vector<512x256xf32>
      %slice3A_618 = vector.extract_strided_slice %mul3A_617 {offsets = [0, 0], sizes = [512, 128], strides = [1, 1]} : vector<512x256xf32> to vector<512x128xf32>
      %slice3A_619 = vector.extract_strided_slice %mul3A_617 {offsets = [0, 128], sizes = [512, 128], strides = [1, 1]} : vector<512x256xf32> to vector<512x128xf32>
      %add3A_620 = arith.addf %slice3A_618, %slice3A_619 : vector<512x128xf32>
      %transpose3A_621 = tpu.transpose %add3A_620, [1, 0] : vector<512x128xf32> -> vector<128x512xf32>
      %slice3A_622 = vector.extract_strided_slice %transpose3A_621 {offsets = [0, 0], sizes = [8, 512], strides = [1, 1]} : vector<128x512xf32> to vector<8x512xf32>
      %slice3A_623 = vector.extract_strided_slice %transpose3A_621 {offsets = [8, 0], sizes = [8, 512], strides = [1, 1]} : vector<128x512xf32> to vector<8x512xf32>
      %add3A_624 = arith.addf %slice3A_622, %slice3A_623 : vector<8x512xf32>
      %slice3A_625 = vector.extract_strided_slice %transpose3A_621 {offsets = [16, 0], sizes = [8, 512], strides = [1, 1]} : vector<128x512xf32> to vector<8x512xf32>
      %add3A_626 = arith.addf %add3A_624, %slice3A_625 : vector<8x512xf32>
      %slice3A_627 = vector.extract_strided_slice %transpose3A_621 {offsets = [24, 0], sizes = [8, 512], strides = [1, 1]} : vector<128x512xf32> to vector<8x512xf32>
      %add3A_628 = arith.addf %add3A_626, %slice3A_627 : vector<8x512xf32>
      %slice3A_629 = vector.extract_strided_slice %transpose3A_621 {offsets = [32, 0], sizes = [8, 512], strides = [1, 1]} : vector<128x512xf32> to vector<8x512xf32>
      %add3A_630 = arith.addf %add3A_628, %slice3A_629 : vector<8x512xf32>
      %slice3A_631 = vector.extract_strided_slice %transpose3A_621 {offsets = [40, 0], sizes = [8, 512], strides = [1, 1]} : vector<128x512xf32> to vector<8x512xf32>
      %add3A_632 = arith.addf %add3A_630, %slice3A_631 : vector<8x512xf32>
      %slice3A_633 = vector.extract_strided_slice %transpose3A_621 {offsets = [48, 0], sizes = [8, 512], strides = [1, 1]} : vector<128x512xf32> to vector<8x512xf32>
      %add3A_634 = arith.addf %add3A_632, %slice3A_633 : vector<8x512xf32>
      %slice3A_635 = vector.extract_strided_slice %transpose3A_621 {offsets = [56, 0], sizes = [8, 512], strides = [1, 1]} : vector<128x512xf32> to vector<8x512xf32>
      %add3A_636 = arith.addf %add3A_634, %slice3A_635 : vector<8x512xf32>
      %slice3A_637 = vector.extract_strided_slice %transpose3A_621 {offsets = [64, 0], sizes = [8, 512], strides = [1, 1]} : vector<128x512xf32> to vector<8x512xf32>
      %add3A_638 = arith.addf %add3A_636, %slice3A_637 : vector<8x512xf32>
      %slice3A_639 = vector.extract_strided_slice %transpose3A_621 {offsets = [72, 0], sizes = [8, 512], strides = [1, 1]} : vector<128x512xf32> to vector<8x512xf32>
      %add3A_640 = arith.addf %add3A_638, %slice3A_639 : vector<8x512xf32>
      %slice3A_641 = vector.extract_strided_slice %transpose3A_621 {offsets = [80, 0], sizes = [8, 512], strides = [1, 1]} : vector<128x512xf32> to vector<8x512xf32>
      %add3A_642 = arith.addf %add3A_640, %slice3A_641 : vector<8x512xf32>
      %slice3A_643 = vector.extract_strided_slice %transpose3A_621 {offsets = [88, 0], sizes = [8, 512], strides = [1, 1]} : vector<128x512xf32> to vector<8x512xf32>
      %add3A_644 = arith.addf %add3A_642, %slice3A_643 : vector<8x512xf32>
      %slice3A_645 = vector.extract_strided_slice %transpose3A_621 {offsets = [96, 0], sizes = [8, 512], strides = [1, 1]} : vector<128x512xf32> to vector<8x512xf32>
      %add3A_646 = arith.addf %add3A_644, %slice3A_645 : vector<8x512xf32>
      %slice3A_647 = vector.extract_strided_slice %transpose3A_621 {offsets = [104, 0], sizes = [8, 512], strides = [1, 1]} : vector<128x512xf32> to vector<8x512xf32>
      %add3A_648 = arith.addf %add3A_646, %slice3A_647 : vector<8x512xf32>
      %slice3A_649 = vector.extract_strided_slice %transpose3A_621 {offsets = [112, 0], sizes = [8, 512], strides = [1, 1]} : vector<128x512xf32> to vector<8x512xf32>
      %add3A_650 = arith.addf %add3A_648, %slice3A_649 : vector<8x512xf32>
      %slice3A_651 = vector.extract_strided_slice %transpose3A_621 {offsets = [120, 0], sizes = [8, 512], strides = [1, 1]} : vector<128x512xf32> to vector<8x512xf32>
      %add3A_652 = arith.addf %add3A_650, %slice3A_651 : vector<8x512xf32>
      %slice3A_653 = vector.extract_strided_slice %add3A_652 {offsets = [0, 0], sizes = [4, 512], strides = [1, 1]} : vector<8x512xf32> to vector<4x512xf32>
      %slice3A_654 = vector.extract_strided_slice %add3A_652 {offsets = [4, 0], sizes = [4, 512], strides = [1, 1]} : vector<8x512xf32> to vector<4x512xf32>
      %add3A_655 = arith.addf %slice3A_653, %slice3A_654 : vector<4x512xf32>
      %slice3A_656 = vector.extract_strided_slice %add3A_655 {offsets = [0, 0], sizes = [2, 512], strides = [1, 1]} : vector<4x512xf32> to vector<2x512xf32>
      %slice3A_657 = vector.extract_strided_slice %add3A_655 {offsets = [2, 0], sizes = [2, 512], strides = [1, 1]} : vector<4x512xf32> to vector<2x512xf32>
      %add3A_658 = arith.addf %slice3A_656, %slice3A_657 : vector<2x512xf32>
      %slice3A_659 = vector.extract_strided_slice %add3A_658 {offsets = [0, 0], sizes = [1, 512], strides = [1, 1]} : vector<2x512xf32> to vector<1x512xf32>
      %slice3A_660 = vector.extract_strided_slice %add3A_658 {offsets = [1, 0], sizes = [1, 512], strides = [1, 1]} : vector<2x512xf32> to vector<1x512xf32>
      %add3A_661 = arith.addf %slice3A_659, %slice3A_660 : vector<1x512xf32>
      %mul3A_662 = arith.constant 512 : i32
      %mul3A_663 = arith.muli %scan3A_611, %mul3A_662 : i32
      %swap3A_664 = arith.constant 0 : index
      %swap3A_665 = arith.index_cast %mul3A_663 : i32 to index
      %swap3A_666 = vector.load %arg7[%swap3A_664, %swap3A_665] : memref<1x8192xf32, #tpu.memory_space<vmem>>, vector<1x512xf32>
      tpu.vector_store %arg7[%swap3A_664, %swap3A_665], %add3A_661 {strides = array<i32>} : memref<1x8192xf32, #tpu.memory_space<vmem>>, vector<1x512xf32>,
      %scan3A_667 = arith.constant 8 : i32
      %mul3A_668 = arith.constant 512 : i32
      %mul3A_669 = arith.muli %scan3A_667, %mul3A_668 : i32
      %get3A_670 = arith.index_cast %mul3A_669 : i32 to index
      %get3A_671 = arith.constant 0 : index
      %get3A_672 = vector.load %arg2[%get3A_670, %get3A_671] : memref<8192x256xf32, #tpu.memory_space<vmem>>, vector<512x256xf32>
      %mul3A_673 = arith.mulf %get3A_672, %get3A_672 : vector<512x256xf32>
      %slice3A_674 = vector.extract_strided_slice %mul3A_673 {offsets = [0, 0], sizes = [512, 128], strides = [1, 1]} : vector<512x256xf32> to vector<512x128xf32>
      %slice3A_675 = vector.extract_strided_slice %mul3A_673 {offsets = [0, 128], sizes = [512, 128], strides = [1, 1]} : vector<512x256xf32> to vector<512x128xf32>
      %add3A_676 = arith.addf %slice3A_674, %slice3A_675 : vector<512x128xf32>
      %transpose3A_677 = tpu.transpose %add3A_676, [1, 0] : vector<512x128xf32> -> vector<128x512xf32>
      %slice3A_678 = vector.extract_strided_slice %transpose3A_677 {offsets = [0, 0], sizes = [8, 512], strides = [1, 1]} : vector<128x512xf32> to vector<8x512xf32>
      %slice3A_679 = vector.extract_strided_slice %transpose3A_677 {offsets = [8, 0], sizes = [8, 512], strides = [1, 1]} : vector<128x512xf32> to vector<8x512xf32>
      %add3A_680 = arith.addf %slice3A_678, %slice3A_679 : vector<8x512xf32>
      %slice3A_681 = vector.extract_strided_slice %transpose3A_677 {offsets = [16, 0], sizes = [8, 512], strides = [1, 1]} : vector<128x512xf32> to vector<8x512xf32>
      %add3A_682 = arith.addf %add3A_680, %slice3A_681 : vector<8x512xf32>
      %slice3A_683 = vector.extract_strided_slice %transpose3A_677 {offsets = [24, 0], sizes = [8, 512], strides = [1, 1]} : vector<128x512xf32> to vector<8x512xf32>
      %add3A_684 = arith.addf %add3A_682, %slice3A_683 : vector<8x512xf32>
      %slice3A_685 = vector.extract_strided_slice %transpose3A_677 {offsets = [32, 0], sizes = [8, 512], strides = [1, 1]} : vector<128x512xf32> to vector<8x512xf32>
      %add3A_686 = arith.addf %add3A_684, %slice3A_685 : vector<8x512xf32>
      %slice3A_687 = vector.extract_strided_slice %transpose3A_677 {offsets = [40, 0], sizes = [8, 512], strides = [1, 1]} : vector<128x512xf32> to vector<8x512xf32>
      %add3A_688 = arith.addf %add3A_686, %slice3A_687 : vector<8x512xf32>
      %slice3A_689 = vector.extract_strided_slice %transpose3A_677 {offsets = [48, 0], sizes = [8, 512], strides = [1, 1]} : vector<128x512xf32> to vector<8x512xf32>
      %add3A_690 = arith.addf %add3A_688, %slice3A_689 : vector<8x512xf32>
      %slice3A_691 = vector.extract_strided_slice %transpose3A_677 {offsets = [56, 0], sizes = [8, 512], strides = [1, 1]} : vector<128x512xf32> to vector<8x512xf32>
      %add3A_692 = arith.addf %add3A_690, %slice3A_691 : vector<8x512xf32>
      %slice3A_693 = vector.extract_strided_slice %transpose3A_677 {offsets = [64, 0], sizes = [8, 512], strides = [1, 1]} : vector<128x512xf32> to vector<8x512xf32>
      %add3A_694 = arith.addf %add3A_692, %slice3A_693 : vector<8x512xf32>
      %slice3A_695 = vector.extract_strided_slice %transpose3A_677 {offsets = [72, 0], sizes = [8, 512], strides = [1, 1]} : vector<128x512xf32> to vector<8x512xf32>
      %add3A_696 = arith.addf %add3A_694, %slice3A_695 : vector<8x512xf32>
      %slice3A_697 = vector.extract_strided_slice %transpose3A_677 {offsets = [80, 0], sizes = [8, 512], strides = [1, 1]} : vector<128x512xf32> to vector<8x512xf32>
      %add3A_698 = arith.addf %add3A_696, %slice3A_697 : vector<8x512xf32>
      %slice3A_699 = vector.extract_strided_slice %transpose3A_677 {offsets = [88, 0], sizes = [8, 512], strides = [1, 1]} : vector<128x512xf32> to vector<8x512xf32>
      %add3A_700 = arith.addf %add3A_698, %slice3A_699 : vector<8x512xf32>
      %slice3A_701 = vector.extract_strided_slice %transpose3A_677 {offsets = [96, 0], sizes = [8, 512], strides = [1, 1]} : vector<128x512xf32> to vector<8x512xf32>
      %add3A_702 = arith.addf %add3A_700, %slice3A_701 : vector<8x512xf32>
      %slice3A_703 = vector.extract_strided_slice %transpose3A_677 {offsets = [104, 0], sizes = [8, 512], strides = [1, 1]} : vector<128x512xf32> to vector<8x512xf32>
      %add3A_704 = arith.addf %add3A_702, %slice3A_703 : vector<8x512xf32>
      %slice3A_705 = vector.extract_strided_slice %transpose3A_677 {offsets = [112, 0], sizes = [8, 512], strides = [1, 1]} : vector<128x512xf32> to vector<8x512xf32>
      %add3A_706 = arith.addf %add3A_704, %slice3A_705 : vector<8x512xf32>
      %slice3A_707 = vector.extract_strided_slice %transpose3A_677 {offsets = [120, 0], sizes = [8, 512], strides = [1, 1]} : vector<128x512xf32> to vector<8x512xf32>
      %add3A_708 = arith.addf %add3A_706, %slice3A_707 : vector<8x512xf32>
      %slice3A_709 = vector.extract_strided_slice %add3A_708 {offsets = [0, 0], sizes = [4, 512], strides = [1, 1]} : vector<8x512xf32> to vector<4x512xf32>
      %slice3A_710 = vector.extract_strided_slice %add3A_708 {offsets = [4, 0], sizes = [4, 512], strides = [1, 1]} : vector<8x512xf32> to vector<4x512xf32>
      %add3A_711 = arith.addf %slice3A_709, %slice3A_710 : vector<4x512xf32>
      %slice3A_712 = vector.extract_strided_slice %add3A_711 {offsets = [0, 0], sizes = [2, 512], strides = [1, 1]} : vector<4x512xf32> to vector<2x512xf32>
      %slice3A_713 = vector.extract_strided_slice %add3A_711 {offsets = [2, 0], sizes = [2, 512], strides = [1, 1]} : vector<4x512xf32> to vector<2x512xf32>
      %add3A_714 = arith.addf %slice3A_712, %slice3A_713 : vector<2x512xf32>
      %slice3A_715 = vector.extract_strided_slice %add3A_714 {offsets = [0, 0], sizes = [1, 512], strides = [1, 1]} : vector<2x512xf32> to vector<1x512xf32>
      %slice3A_716 = vector.extract_strided_slice %add3A_714 {offsets = [1, 0], sizes = [1, 512], strides = [1, 1]} : vector<2x512xf32> to vector<1x512xf32>
      %add3A_717 = arith.addf %slice3A_715, %slice3A_716 : vector<1x512xf32>
      %mul3A_718 = arith.constant 512 : i32
      %mul3A_719 = arith.muli %scan3A_667, %mul3A_718 : i32
      %swap3A_720 = arith.constant 0 : index
      %swap3A_721 = arith.index_cast %mul3A_719 : i32 to index
      %swap3A_722 = vector.load %arg7[%swap3A_720, %swap3A_721] : memref<1x8192xf32, #tpu.memory_space<vmem>>, vector<1x512xf32>
      tpu.vector_store %arg7[%swap3A_720, %swap3A_721], %add3A_717 {strides = array<i32>} : memref<1x8192xf32, #tpu.memory_space<vmem>>, vector<1x512xf32>,
      %scan3A_723 = arith.constant 9 : i32
      %mul3A_724 = arith.constant 512 : i32
      %mul3A_725 = arith.muli %scan3A_723, %mul3A_724 : i32
      %get3A_726 = arith.index_cast %mul3A_725 : i32 to index
      %get3A_727 = arith.constant 0 : index
      %get3A_728 = vector.load %arg2[%get3A_726, %get3A_727] : memref<8192x256xf32, #tpu.memory_space<vmem>>, vector<512x256xf32>
      %mul3A_729 = arith.mulf %get3A_728, %get3A_728 : vector<512x256xf32>
      %slice3A_730 = vector.extract_strided_slice %mul3A_729 {offsets = [0, 0], sizes = [512, 128], strides = [1, 1]} : vector<512x256xf32> to vector<512x128xf32>
      %slice3A_731 = vector.extract_strided_slice %mul3A_729 {offsets = [0, 128], sizes = [512, 128], strides = [1, 1]} : vector<512x256xf32> to vector<512x128xf32>
      %add3A_732 = arith.addf %slice3A_730, %slice3A_731 : vector<512x128xf32>
      %transpose3A_733 = tpu.transpose %add3A_732, [1, 0] : vector<512x128xf32> -> vector<128x512xf32>
      %slice3A_734 = vector.extract_strided_slice %transpose3A_733 {offsets = [0, 0], sizes = [8, 512], strides = [1, 1]} : vector<128x512xf32> to vector<8x512xf32>
      %slice3A_735 = vector.extract_strided_slice %transpose3A_733 {offsets = [8, 0], sizes = [8, 512], strides = [1, 1]} : vector<128x512xf32> to vector<8x512xf32>
      %add3A_736 = arith.addf %slice3A_734, %slice3A_735 : vector<8x512xf32>
      %slice3A_737 = vector.extract_strided_slice %transpose3A_733 {offsets = [16, 0], sizes = [8, 512], strides = [1, 1]} : vector<128x512xf32> to vector<8x512xf32>
      %add3A_738 = arith.addf %add3A_736, %slice3A_737 : vector<8x512xf32>
      %slice3A_739 = vector.extract_strided_slice %transpose3A_733 {offsets = [24, 0], sizes = [8, 512], strides = [1, 1]} : vector<128x512xf32> to vector<8x512xf32>
      %add3A_740 = arith.addf %add3A_738, %slice3A_739 : vector<8x512xf32>
      %slice3A_741 = vector.extract_strided_slice %transpose3A_733 {offsets = [32, 0], sizes = [8, 512], strides = [1, 1]} : vector<128x512xf32> to vector<8x512xf32>
      %add3A_742 = arith.addf %add3A_740, %slice3A_741 : vector<8x512xf32>
      %slice3A_743 = vector.extract_strided_slice %transpose3A_733 {offsets = [40, 0], sizes = [8, 512], strides = [1, 1]} : vector<128x512xf32> to vector<8x512xf32>
      %add3A_744 = arith.addf %add3A_742, %slice3A_743 : vector<8x512xf32>
      %slice3A_745 = vector.extract_strided_slice %transpose3A_733 {offsets = [48, 0], sizes = [8, 512], strides = [1, 1]} : vector<128x512xf32> to vector<8x512xf32>
      %add3A_746 = arith.addf %add3A_744, %slice3A_745 : vector<8x512xf32>
      %slice3A_747 = vector.extract_strided_slice %transpose3A_733 {offsets = [56, 0], sizes = [8, 512], strides = [1, 1]} : vector<128x512xf32> to vector<8x512xf32>
      %add3A_748 = arith.addf %add3A_746, %slice3A_747 : vector<8x512xf32>
      %slice3A_749 = vector.extract_strided_slice %transpose3A_733 {offsets = [64, 0], sizes = [8, 512], strides = [1, 1]} : vector<128x512xf32> to vector<8x512xf32>
      %add3A_750 = arith.addf %add3A_748, %slice3A_749 : vector<8x512xf32>
      %slice3A_751 = vector.extract_strided_slice %transpose3A_733 {offsets = [72, 0], sizes = [8, 512], strides = [1, 1]} : vector<128x512xf32> to vector<8x512xf32>
      %add3A_752 = arith.addf %add3A_750, %slice3A_751 : vector<8x512xf32>
      %slice3A_753 = vector.extract_strided_slice %transpose3A_733 {offsets = [80, 0], sizes = [8, 512], strides = [1, 1]} : vector<128x512xf32> to vector<8x512xf32>
      %add3A_754 = arith.addf %add3A_752, %slice3A_753 : vector<8x512xf32>
      %slice3A_755 = vector.extract_strided_slice %transpose3A_733 {offsets = [88, 0], sizes = [8, 512], strides = [1, 1]} : vector<128x512xf32> to vector<8x512xf32>
      %add3A_756 = arith.addf %add3A_754, %slice3A_755 : vector<8x512xf32>
      %slice3A_757 = vector.extract_strided_slice %transpose3A_733 {offsets = [96, 0], sizes = [8, 512], strides = [1, 1]} : vector<128x512xf32> to vector<8x512xf32>
      %add3A_758 = arith.addf %add3A_756, %slice3A_757 : vector<8x512xf32>
      %slice3A_759 = vector.extract_strided_slice %transpose3A_733 {offsets = [104, 0], sizes = [8, 512], strides = [1, 1]} : vector<128x512xf32> to vector<8x512xf32>
      %add3A_760 = arith.addf %add3A_758, %slice3A_759 : vector<8x512xf32>
      %slice3A_761 = vector.extract_strided_slice %transpose3A_733 {offsets = [112, 0], sizes = [8, 512], strides = [1, 1]} : vector<128x512xf32> to vector<8x512xf32>
      %add3A_762 = arith.addf %add3A_760, %slice3A_761 : vector<8x512xf32>
      %slice3A_763 = vector.extract_strided_slice %transpose3A_733 {offsets = [120, 0], sizes = [8, 512], strides = [1, 1]} : vector<128x512xf32> to vector<8x512xf32>
      %add3A_764 = arith.addf %add3A_762, %slice3A_763 : vector<8x512xf32>
      %slice3A_765 = vector.extract_strided_slice %add3A_764 {offsets = [0, 0], sizes = [4, 512], strides = [1, 1]} : vector<8x512xf32> to vector<4x512xf32>
      %slice3A_766 = vector.extract_strided_slice %add3A_764 {offsets = [4, 0], sizes = [4, 512], strides = [1, 1]} : vector<8x512xf32> to vector<4x512xf32>
      %add3A_767 = arith.addf %slice3A_765, %slice3A_766 : vector<4x512xf32>
      %slice3A_768 = vector.extract_strided_slice %add3A_767 {offsets = [0, 0], sizes = [2, 512], strides = [1, 1]} : vector<4x512xf32> to vector<2x512xf32>
      %slice3A_769 = vector.extract_strided_slice %add3A_767 {offsets = [2, 0], sizes = [2, 512], strides = [1, 1]} : vector<4x512xf32> to vector<2x512xf32>
      %add3A_770 = arith.addf %slice3A_768, %slice3A_769 : vector<2x512xf32>
      %slice3A_771 = vector.extract_strided_slice %add3A_770 {offsets = [0, 0], sizes = [1, 512], strides = [1, 1]} : vector<2x512xf32> to vector<1x512xf32>
      %slice3A_772 = vector.extract_strided_slice %add3A_770 {offsets = [1, 0], sizes = [1, 512], strides = [1, 1]} : vector<2x512xf32> to vector<1x512xf32>
      %add3A_773 = arith.addf %slice3A_771, %slice3A_772 : vector<1x512xf32>
      %mul3A_774 = arith.constant 512 : i32
      %mul3A_775 = arith.muli %scan3A_723, %mul3A_774 : i32
      %swap3A_776 = arith.constant 0 : index
      %swap3A_777 = arith.index_cast %mul3A_775 : i32 to index
      %swap3A_778 = vector.load %arg7[%swap3A_776, %swap3A_777] : memref<1x8192xf32, #tpu.memory_space<vmem>>, vector<1x512xf32>
      tpu.vector_store %arg7[%swap3A_776, %swap3A_777], %add3A_773 {strides = array<i32>} : memref<1x8192xf32, #tpu.memory_space<vmem>>, vector<1x512xf32>,
      %scan3A_779 = arith.constant 10 : i32
      %mul3A_780 = arith.constant 512 : i32
      %mul3A_781 = arith.muli %scan3A_779, %mul3A_780 : i32
      %get3A_782 = arith.index_cast %mul3A_781 : i32 to index
      %get3A_783 = arith.constant 0 : index
      %get3A_784 = vector.load %arg2[%get3A_782, %get3A_783] : memref<8192x256xf32, #tpu.memory_space<vmem>>, vector<512x256xf32>
      %mul3A_785 = arith.mulf %get3A_784, %get3A_784 : vector<512x256xf32>
      %slice3A_786 = vector.extract_strided_slice %mul3A_785 {offsets = [0, 0], sizes = [512, 128], strides = [1, 1]} : vector<512x256xf32> to vector<512x128xf32>
      %slice3A_787 = vector.extract_strided_slice %mul3A_785 {offsets = [0, 128], sizes = [512, 128], strides = [1, 1]} : vector<512x256xf32> to vector<512x128xf32>
      %add3A_788 = arith.addf %slice3A_786, %slice3A_787 : vector<512x128xf32>
      %transpose3A_789 = tpu.transpose %add3A_788, [1, 0] : vector<512x128xf32> -> vector<128x512xf32>
      %slice3A_790 = vector.extract_strided_slice %transpose3A_789 {offsets = [0, 0], sizes = [8, 512], strides = [1, 1]} : vector<128x512xf32> to vector<8x512xf32>
      %slice3A_791 = vector.extract_strided_slice %transpose3A_789 {offsets = [8, 0], sizes = [8, 512], strides = [1, 1]} : vector<128x512xf32> to vector<8x512xf32>
      %add3A_792 = arith.addf %slice3A_790, %slice3A_791 : vector<8x512xf32>
      %slice3A_793 = vector.extract_strided_slice %transpose3A_789 {offsets = [16, 0], sizes = [8, 512], strides = [1, 1]} : vector<128x512xf32> to vector<8x512xf32>
      %add3A_794 = arith.addf %add3A_792, %slice3A_793 : vector<8x512xf32>
      %slice3A_795 = vector.extract_strided_slice %transpose3A_789 {offsets = [24, 0], sizes = [8, 512], strides = [1, 1]} : vector<128x512xf32> to vector<8x512xf32>
      %add3A_796 = arith.addf %add3A_794, %slice3A_795 : vector<8x512xf32>
      %slice3A_797 = vector.extract_strided_slice %transpose3A_789 {offsets = [32, 0], sizes = [8, 512], strides = [1, 1]} : vector<128x512xf32> to vector<8x512xf32>
      %add3A_798 = arith.addf %add3A_796, %slice3A_797 : vector<8x512xf32>
      %slice3A_799 = vector.extract_strided_slice %transpose3A_789 {offsets = [40, 0], sizes = [8, 512], strides = [1, 1]} : vector<128x512xf32> to vector<8x512xf32>
      %add3A_800 = arith.addf %add3A_798, %slice3A_799 : vector<8x512xf32>
      %slice3A_801 = vector.extract_strided_slice %transpose3A_789 {offsets = [48, 0], sizes = [8, 512], strides = [1, 1]} : vector<128x512xf32> to vector<8x512xf32>
      %add3A_802 = arith.addf %add3A_800, %slice3A_801 : vector<8x512xf32>
      %slice3A_803 = vector.extract_strided_slice %transpose3A_789 {offsets = [56, 0], sizes = [8, 512], strides = [1, 1]} : vector<128x512xf32> to vector<8x512xf32>
      %add3A_804 = arith.addf %add3A_802, %slice3A_803 : vector<8x512xf32>
      %slice3A_805 = vector.extract_strided_slice %transpose3A_789 {offsets = [64, 0], sizes = [8, 512], strides = [1, 1]} : vector<128x512xf32> to vector<8x512xf32>
      %add3A_806 = arith.addf %add3A_804, %slice3A_805 : vector<8x512xf32>
      %slice3A_807 = vector.extract_strided_slice %transpose3A_789 {offsets = [72, 0], sizes = [8, 512], strides = [1, 1]} : vector<128x512xf32> to vector<8x512xf32>
      %add3A_808 = arith.addf %add3A_806, %slice3A_807 : vector<8x512xf32>
      %slice3A_809 = vector.extract_strided_slice %transpose3A_789 {offsets = [80, 0], sizes = [8, 512], strides = [1, 1]} : vector<128x512xf32> to vector<8x512xf32>
      %add3A_810 = arith.addf %add3A_808, %slice3A_809 : vector<8x512xf32>
      %slice3A_811 = vector.extract_strided_slice %transpose3A_789 {offsets = [88, 0], sizes = [8, 512], strides = [1, 1]} : vector<128x512xf32> to vector<8x512xf32>
      %add3A_812 = arith.addf %add3A_810, %slice3A_811 : vector<8x512xf32>
      %slice3A_813 = vector.extract_strided_slice %transpose3A_789 {offsets = [96, 0], sizes = [8, 512], strides = [1, 1]} : vector<128x512xf32> to vector<8x512xf32>
      %add3A_814 = arith.addf %add3A_812, %slice3A_813 : vector<8x512xf32>
      %slice3A_815 = vector.extract_strided_slice %transpose3A_789 {offsets = [104, 0], sizes = [8, 512], strides = [1, 1]} : vector<128x512xf32> to vector<8x512xf32>
      %add3A_816 = arith.addf %add3A_814, %slice3A_815 : vector<8x512xf32>
      %slice3A_817 = vector.extract_strided_slice %transpose3A_789 {offsets = [112, 0], sizes = [8, 512], strides = [1, 1]} : vector<128x512xf32> to vector<8x512xf32>
      %add3A_818 = arith.addf %add3A_816, %slice3A_817 : vector<8x512xf32>
      %slice3A_819 = vector.extract_strided_slice %transpose3A_789 {offsets = [120, 0], sizes = [8, 512], strides = [1, 1]} : vector<128x512xf32> to vector<8x512xf32>
      %add3A_820 = arith.addf %add3A_818, %slice3A_819 : vector<8x512xf32>
      %slice3A_821 = vector.extract_strided_slice %add3A_820 {offsets = [0, 0], sizes = [4, 512], strides = [1, 1]} : vector<8x512xf32> to vector<4x512xf32>
      %slice3A_822 = vector.extract_strided_slice %add3A_820 {offsets = [4, 0], sizes = [4, 512], strides = [1, 1]} : vector<8x512xf32> to vector<4x512xf32>
      %add3A_823 = arith.addf %slice3A_821, %slice3A_822 : vector<4x512xf32>
      %slice3A_824 = vector.extract_strided_slice %add3A_823 {offsets = [0, 0], sizes = [2, 512], strides = [1, 1]} : vector<4x512xf32> to vector<2x512xf32>
      %slice3A_825 = vector.extract_strided_slice %add3A_823 {offsets = [2, 0], sizes = [2, 512], strides = [1, 1]} : vector<4x512xf32> to vector<2x512xf32>
      %add3A_826 = arith.addf %slice3A_824, %slice3A_825 : vector<2x512xf32>
      %slice3A_827 = vector.extract_strided_slice %add3A_826 {offsets = [0, 0], sizes = [1, 512], strides = [1, 1]} : vector<2x512xf32> to vector<1x512xf32>
      %slice3A_828 = vector.extract_strided_slice %add3A_826 {offsets = [1, 0], sizes = [1, 512], strides = [1, 1]} : vector<2x512xf32> to vector<1x512xf32>
      %add3A_829 = arith.addf %slice3A_827, %slice3A_828 : vector<1x512xf32>
      %mul3A_830 = arith.constant 512 : i32
      %mul3A_831 = arith.muli %scan3A_779, %mul3A_830 : i32
      %swap3A_832 = arith.constant 0 : index
      %swap3A_833 = arith.index_cast %mul3A_831 : i32 to index
      %swap3A_834 = vector.load %arg7[%swap3A_832, %swap3A_833] : memref<1x8192xf32, #tpu.memory_space<vmem>>, vector<1x512xf32>
      tpu.vector_store %arg7[%swap3A_832, %swap3A_833], %add3A_829 {strides = array<i32>} : memref<1x8192xf32, #tpu.memory_space<vmem>>, vector<1x512xf32>,
      %scan3A_835 = arith.constant 11 : i32
      %mul3A_836 = arith.constant 512 : i32
      %mul3A_837 = arith.muli %scan3A_835, %mul3A_836 : i32
      %get3A_838 = arith.index_cast %mul3A_837 : i32 to index
      %get3A_839 = arith.constant 0 : index
      %get3A_840 = vector.load %arg2[%get3A_838, %get3A_839] : memref<8192x256xf32, #tpu.memory_space<vmem>>, vector<512x256xf32>
      %mul3A_841 = arith.mulf %get3A_840, %get3A_840 : vector<512x256xf32>
      %slice3A_842 = vector.extract_strided_slice %mul3A_841 {offsets = [0, 0], sizes = [512, 128], strides = [1, 1]} : vector<512x256xf32> to vector<512x128xf32>
      %slice3A_843 = vector.extract_strided_slice %mul3A_841 {offsets = [0, 128], sizes = [512, 128], strides = [1, 1]} : vector<512x256xf32> to vector<512x128xf32>
      %add3A_844 = arith.addf %slice3A_842, %slice3A_843 : vector<512x128xf32>
      %transpose3A_845 = tpu.transpose %add3A_844, [1, 0] : vector<512x128xf32> -> vector<128x512xf32>
      %slice3A_846 = vector.extract_strided_slice %transpose3A_845 {offsets = [0, 0], sizes = [8, 512], strides = [1, 1]} : vector<128x512xf32> to vector<8x512xf32>
      %slice3A_847 = vector.extract_strided_slice %transpose3A_845 {offsets = [8, 0], sizes = [8, 512], strides = [1, 1]} : vector<128x512xf32> to vector<8x512xf32>
      %add3A_848 = arith.addf %slice3A_846, %slice3A_847 : vector<8x512xf32>
      %slice3A_849 = vector.extract_strided_slice %transpose3A_845 {offsets = [16, 0], sizes = [8, 512], strides = [1, 1]} : vector<128x512xf32> to vector<8x512xf32>
      %add3A_850 = arith.addf %add3A_848, %slice3A_849 : vector<8x512xf32>
      %slice3A_851 = vector.extract_strided_slice %transpose3A_845 {offsets = [24, 0], sizes = [8, 512], strides = [1, 1]} : vector<128x512xf32> to vector<8x512xf32>
      %add3A_852 = arith.addf %add3A_850, %slice3A_851 : vector<8x512xf32>
      %slice3A_853 = vector.extract_strided_slice %transpose3A_845 {offsets = [32, 0], sizes = [8, 512], strides = [1, 1]} : vector<128x512xf32> to vector<8x512xf32>
      %add3A_854 = arith.addf %add3A_852, %slice3A_853 : vector<8x512xf32>
      %slice3A_855 = vector.extract_strided_slice %transpose3A_845 {offsets = [40, 0], sizes = [8, 512], strides = [1, 1]} : vector<128x512xf32> to vector<8x512xf32>
      %add3A_856 = arith.addf %add3A_854, %slice3A_855 : vector<8x512xf32>
      %slice3A_857 = vector.extract_strided_slice %transpose3A_845 {offsets = [48, 0], sizes = [8, 512], strides = [1, 1]} : vector<128x512xf32> to vector<8x512xf32>
      %add3A_858 = arith.addf %add3A_856, %slice3A_857 : vector<8x512xf32>
      %slice3A_859 = vector.extract_strided_slice %transpose3A_845 {offsets = [56, 0], sizes = [8, 512], strides = [1, 1]} : vector<128x512xf32> to vector<8x512xf32>
      %add3A_860 = arith.addf %add3A_858, %slice3A_859 : vector<8x512xf32>
      %slice3A_861 = vector.extract_strided_slice %transpose3A_845 {offsets = [64, 0], sizes = [8, 512], strides = [1, 1]} : vector<128x512xf32> to vector<8x512xf32>
      %add3A_862 = arith.addf %add3A_860, %slice3A_861 : vector<8x512xf32>
      %slice3A_863 = vector.extract_strided_slice %transpose3A_845 {offsets = [72, 0], sizes = [8, 512], strides = [1, 1]} : vector<128x512xf32> to vector<8x512xf32>
      %add3A_864 = arith.addf %add3A_862, %slice3A_863 : vector<8x512xf32>
      %slice3A_865 = vector.extract_strided_slice %transpose3A_845 {offsets = [80, 0], sizes = [8, 512], strides = [1, 1]} : vector<128x512xf32> to vector<8x512xf32>
      %add3A_866 = arith.addf %add3A_864, %slice3A_865 : vector<8x512xf32>
      %slice3A_867 = vector.extract_strided_slice %transpose3A_845 {offsets = [88, 0], sizes = [8, 512], strides = [1, 1]} : vector<128x512xf32> to vector<8x512xf32>
      %add3A_868 = arith.addf %add3A_866, %slice3A_867 : vector<8x512xf32>
      %slice3A_869 = vector.extract_strided_slice %transpose3A_845 {offsets = [96, 0], sizes = [8, 512], strides = [1, 1]} : vector<128x512xf32> to vector<8x512xf32>
      %add3A_870 = arith.addf %add3A_868, %slice3A_869 : vector<8x512xf32>
      %slice3A_871 = vector.extract_strided_slice %transpose3A_845 {offsets = [104, 0], sizes = [8, 512], strides = [1, 1]} : vector<128x512xf32> to vector<8x512xf32>
      %add3A_872 = arith.addf %add3A_870, %slice3A_871 : vector<8x512xf32>
      %slice3A_873 = vector.extract_strided_slice %transpose3A_845 {offsets = [112, 0], sizes = [8, 512], strides = [1, 1]} : vector<128x512xf32> to vector<8x512xf32>
      %add3A_874 = arith.addf %add3A_872, %slice3A_873 : vector<8x512xf32>
      %slice3A_875 = vector.extract_strided_slice %transpose3A_845 {offsets = [120, 0], sizes = [8, 512], strides = [1, 1]} : vector<128x512xf32> to vector<8x512xf32>
      %add3A_876 = arith.addf %add3A_874, %slice3A_875 : vector<8x512xf32>
      %slice3A_877 = vector.extract_strided_slice %add3A_876 {offsets = [0, 0], sizes = [4, 512], strides = [1, 1]} : vector<8x512xf32> to vector<4x512xf32>
      %slice3A_878 = vector.extract_strided_slice %add3A_876 {offsets = [4, 0], sizes = [4, 512], strides = [1, 1]} : vector<8x512xf32> to vector<4x512xf32>
      %add3A_879 = arith.addf %slice3A_877, %slice3A_878 : vector<4x512xf32>
      %slice3A_880 = vector.extract_strided_slice %add3A_879 {offsets = [0, 0], sizes = [2, 512], strides = [1, 1]} : vector<4x512xf32> to vector<2x512xf32>
      %slice3A_881 = vector.extract_strided_slice %add3A_879 {offsets = [2, 0], sizes = [2, 512], strides = [1, 1]} : vector<4x512xf32> to vector<2x512xf32>
      %add3A_882 = arith.addf %slice3A_880, %slice3A_881 : vector<2x512xf32>
      %slice3A_883 = vector.extract_strided_slice %add3A_882 {offsets = [0, 0], sizes = [1, 512], strides = [1, 1]} : vector<2x512xf32> to vector<1x512xf32>
      %slice3A_884 = vector.extract_strided_slice %add3A_882 {offsets = [1, 0], sizes = [1, 512], strides = [1, 1]} : vector<2x512xf32> to vector<1x512xf32>
      %add3A_885 = arith.addf %slice3A_883, %slice3A_884 : vector<1x512xf32>
      %mul3A_886 = arith.constant 512 : i32
      %mul3A_887 = arith.muli %scan3A_835, %mul3A_886 : i32
      %swap3A_888 = arith.constant 0 : index
      %swap3A_889 = arith.index_cast %mul3A_887 : i32 to index
      %swap3A_890 = vector.load %arg7[%swap3A_888, %swap3A_889] : memref<1x8192xf32, #tpu.memory_space<vmem>>, vector<1x512xf32>
      tpu.vector_store %arg7[%swap3A_888, %swap3A_889], %add3A_885 {strides = array<i32>} : memref<1x8192xf32, #tpu.memory_space<vmem>>, vector<1x512xf32>,
      %scan3A_891 = arith.constant 12 : i32
      %mul3A_892 = arith.constant 512 : i32
      %mul3A_893 = arith.muli %scan3A_891, %mul3A_892 : i32
      %get3A_894 = arith.index_cast %mul3A_893 : i32 to index
      %get3A_895 = arith.constant 0 : index
      %get3A_896 = vector.load %arg2[%get3A_894, %get3A_895] : memref<8192x256xf32, #tpu.memory_space<vmem>>, vector<512x256xf32>
      %mul3A_897 = arith.mulf %get3A_896, %get3A_896 : vector<512x256xf32>
      %slice3A_898 = vector.extract_strided_slice %mul3A_897 {offsets = [0, 0], sizes = [512, 128], strides = [1, 1]} : vector<512x256xf32> to vector<512x128xf32>
      %slice3A_899 = vector.extract_strided_slice %mul3A_897 {offsets = [0, 128], sizes = [512, 128], strides = [1, 1]} : vector<512x256xf32> to vector<512x128xf32>
      %add3A_900 = arith.addf %slice3A_898, %slice3A_899 : vector<512x128xf32>
      %transpose3A_901 = tpu.transpose %add3A_900, [1, 0] : vector<512x128xf32> -> vector<128x512xf32>
      %slice3A_902 = vector.extract_strided_slice %transpose3A_901 {offsets = [0, 0], sizes = [8, 512], strides = [1, 1]} : vector<128x512xf32> to vector<8x512xf32>
      %slice3A_903 = vector.extract_strided_slice %transpose3A_901 {offsets = [8, 0], sizes = [8, 512], strides = [1, 1]} : vector<128x512xf32> to vector<8x512xf32>
      %add3A_904 = arith.addf %slice3A_902, %slice3A_903 : vector<8x512xf32>
      %slice3A_905 = vector.extract_strided_slice %transpose3A_901 {offsets = [16, 0], sizes = [8, 512], strides = [1, 1]} : vector<128x512xf32> to vector<8x512xf32>
      %add3A_906 = arith.addf %add3A_904, %slice3A_905 : vector<8x512xf32>
      %slice3A_907 = vector.extract_strided_slice %transpose3A_901 {offsets = [24, 0], sizes = [8, 512], strides = [1, 1]} : vector<128x512xf32> to vector<8x512xf32>
      %add3A_908 = arith.addf %add3A_906, %slice3A_907 : vector<8x512xf32>
      %slice3A_909 = vector.extract_strided_slice %transpose3A_901 {offsets = [32, 0], sizes = [8, 512], strides = [1, 1]} : vector<128x512xf32> to vector<8x512xf32>
      %add3A_910 = arith.addf %add3A_908, %slice3A_909 : vector<8x512xf32>
      %slice3A_911 = vector.extract_strided_slice %transpose3A_901 {offsets = [40, 0], sizes = [8, 512], strides = [1, 1]} : vector<128x512xf32> to vector<8x512xf32>
      %add3A_912 = arith.addf %add3A_910, %slice3A_911 : vector<8x512xf32>
      %slice3A_913 = vector.extract_strided_slice %transpose3A_901 {offsets = [48, 0], sizes = [8, 512], strides = [1, 1]} : vector<128x512xf32> to vector<8x512xf32>
      %add3A_914 = arith.addf %add3A_912, %slice3A_913 : vector<8x512xf32>
      %slice3A_915 = vector.extract_strided_slice %transpose3A_901 {offsets = [56, 0], sizes = [8, 512], strides = [1, 1]} : vector<128x512xf32> to vector<8x512xf32>
      %add3A_916 = arith.addf %add3A_914, %slice3A_915 : vector<8x512xf32>
      %slice3A_917 = vector.extract_strided_slice %transpose3A_901 {offsets = [64, 0], sizes = [8, 512], strides = [1, 1]} : vector<128x512xf32> to vector<8x512xf32>
      %add3A_918 = arith.addf %add3A_916, %slice3A_917 : vector<8x512xf32>
      %slice3A_919 = vector.extract_strided_slice %transpose3A_901 {offsets = [72, 0], sizes = [8, 512], strides = [1, 1]} : vector<128x512xf32> to vector<8x512xf32>
      %add3A_920 = arith.addf %add3A_918, %slice3A_919 : vector<8x512xf32>
      %slice3A_921 = vector.extract_strided_slice %transpose3A_901 {offsets = [80, 0], sizes = [8, 512], strides = [1, 1]} : vector<128x512xf32> to vector<8x512xf32>
      %add3A_922 = arith.addf %add3A_920, %slice3A_921 : vector<8x512xf32>
      %slice3A_923 = vector.extract_strided_slice %transpose3A_901 {offsets = [88, 0], sizes = [8, 512], strides = [1, 1]} : vector<128x512xf32> to vector<8x512xf32>
      %add3A_924 = arith.addf %add3A_922, %slice3A_923 : vector<8x512xf32>
      %slice3A_925 = vector.extract_strided_slice %transpose3A_901 {offsets = [96, 0], sizes = [8, 512], strides = [1, 1]} : vector<128x512xf32> to vector<8x512xf32>
      %add3A_926 = arith.addf %add3A_924, %slice3A_925 : vector<8x512xf32>
      %slice3A_927 = vector.extract_strided_slice %transpose3A_901 {offsets = [104, 0], sizes = [8, 512], strides = [1, 1]} : vector<128x512xf32> to vector<8x512xf32>
      %add3A_928 = arith.addf %add3A_926, %slice3A_927 : vector<8x512xf32>
      %slice3A_929 = vector.extract_strided_slice %transpose3A_901 {offsets = [112, 0], sizes = [8, 512], strides = [1, 1]} : vector<128x512xf32> to vector<8x512xf32>
      %add3A_930 = arith.addf %add3A_928, %slice3A_929 : vector<8x512xf32>
      %slice3A_931 = vector.extract_strided_slice %transpose3A_901 {offsets = [120, 0], sizes = [8, 512], strides = [1, 1]} : vector<128x512xf32> to vector<8x512xf32>
      %add3A_932 = arith.addf %add3A_930, %slice3A_931 : vector<8x512xf32>
      %slice3A_933 = vector.extract_strided_slice %add3A_932 {offsets = [0, 0], sizes = [4, 512], strides = [1, 1]} : vector<8x512xf32> to vector<4x512xf32>
      %slice3A_934 = vector.extract_strided_slice %add3A_932 {offsets = [4, 0], sizes = [4, 512], strides = [1, 1]} : vector<8x512xf32> to vector<4x512xf32>
      %add3A_935 = arith.addf %slice3A_933, %slice3A_934 : vector<4x512xf32>
      %slice3A_936 = vector.extract_strided_slice %add3A_935 {offsets = [0, 0], sizes = [2, 512], strides = [1, 1]} : vector<4x512xf32> to vector<2x512xf32>
      %slice3A_937 = vector.extract_strided_slice %add3A_935 {offsets = [2, 0], sizes = [2, 512], strides = [1, 1]} : vector<4x512xf32> to vector<2x512xf32>
      %add3A_938 = arith.addf %slice3A_936, %slice3A_937 : vector<2x512xf32>
      %slice3A_939 = vector.extract_strided_slice %add3A_938 {offsets = [0, 0], sizes = [1, 512], strides = [1, 1]} : vector<2x512xf32> to vector<1x512xf32>
      %slice3A_940 = vector.extract_strided_slice %add3A_938 {offsets = [1, 0], sizes = [1, 512], strides = [1, 1]} : vector<2x512xf32> to vector<1x512xf32>
      %add3A_941 = arith.addf %slice3A_939, %slice3A_940 : vector<1x512xf32>
      %mul3A_942 = arith.constant 512 : i32
      %mul3A_943 = arith.muli %scan3A_891, %mul3A_942 : i32
      %swap3A_944 = arith.constant 0 : index
      %swap3A_945 = arith.index_cast %mul3A_943 : i32 to index
      %swap3A_946 = vector.load %arg7[%swap3A_944, %swap3A_945] : memref<1x8192xf32, #tpu.memory_space<vmem>>, vector<1x512xf32>
      tpu.vector_store %arg7[%swap3A_944, %swap3A_945], %add3A_941 {strides = array<i32>} : memref<1x8192xf32, #tpu.memory_space<vmem>>, vector<1x512xf32>,
      %scan3A_947 = arith.constant 13 : i32
      %mul3A_948 = arith.constant 512 : i32
      %mul3A_949 = arith.muli %scan3A_947, %mul3A_948 : i32
      %get3A_950 = arith.index_cast %mul3A_949 : i32 to index
      %get3A_951 = arith.constant 0 : index
      %get3A_952 = vector.load %arg2[%get3A_950, %get3A_951] : memref<8192x256xf32, #tpu.memory_space<vmem>>, vector<512x256xf32>
      %mul3A_953 = arith.mulf %get3A_952, %get3A_952 : vector<512x256xf32>
      %slice3A_954 = vector.extract_strided_slice %mul3A_953 {offsets = [0, 0], sizes = [512, 128], strides = [1, 1]} : vector<512x256xf32> to vector<512x128xf32>
      %slice3A_955 = vector.extract_strided_slice %mul3A_953 {offsets = [0, 128], sizes = [512, 128], strides = [1, 1]} : vector<512x256xf32> to vector<512x128xf32>
      %add3A_956 = arith.addf %slice3A_954, %slice3A_955 : vector<512x128xf32>
      %transpose3A_957 = tpu.transpose %add3A_956, [1, 0] : vector<512x128xf32> -> vector<128x512xf32>
      %slice3A_958 = vector.extract_strided_slice %transpose3A_957 {offsets = [0, 0], sizes = [8, 512], strides = [1, 1]} : vector<128x512xf32> to vector<8x512xf32>
      %slice3A_959 = vector.extract_strided_slice %transpose3A_957 {offsets = [8, 0], sizes = [8, 512], strides = [1, 1]} : vector<128x512xf32> to vector<8x512xf32>
      %add3A_960 = arith.addf %slice3A_958, %slice3A_959 : vector<8x512xf32>
      %slice3A_961 = vector.extract_strided_slice %transpose3A_957 {offsets = [16, 0], sizes = [8, 512], strides = [1, 1]} : vector<128x512xf32> to vector<8x512xf32>
      %add3A_962 = arith.addf %add3A_960, %slice3A_961 : vector<8x512xf32>
      %slice3A_963 = vector.extract_strided_slice %transpose3A_957 {offsets = [24, 0], sizes = [8, 512], strides = [1, 1]} : vector<128x512xf32> to vector<8x512xf32>
      %add3A_964 = arith.addf %add3A_962, %slice3A_963 : vector<8x512xf32>
      %slice3A_965 = vector.extract_strided_slice %transpose3A_957 {offsets = [32, 0], sizes = [8, 512], strides = [1, 1]} : vector<128x512xf32> to vector<8x512xf32>
      %add3A_966 = arith.addf %add3A_964, %slice3A_965 : vector<8x512xf32>
      %slice3A_967 = vector.extract_strided_slice %transpose3A_957 {offsets = [40, 0], sizes = [8, 512], strides = [1, 1]} : vector<128x512xf32> to vector<8x512xf32>
      %add3A_968 = arith.addf %add3A_966, %slice3A_967 : vector<8x512xf32>
      %slice3A_969 = vector.extract_strided_slice %transpose3A_957 {offsets = [48, 0], sizes = [8, 512], strides = [1, 1]} : vector<128x512xf32> to vector<8x512xf32>
      %add3A_970 = arith.addf %add3A_968, %slice3A_969 : vector<8x512xf32>
      %slice3A_971 = vector.extract_strided_slice %transpose3A_957 {offsets = [56, 0], sizes = [8, 512], strides = [1, 1]} : vector<128x512xf32> to vector<8x512xf32>
      %add3A_972 = arith.addf %add3A_970, %slice3A_971 : vector<8x512xf32>
      %slice3A_973 = vector.extract_strided_slice %transpose3A_957 {offsets = [64, 0], sizes = [8, 512], strides = [1, 1]} : vector<128x512xf32> to vector<8x512xf32>
      %add3A_974 = arith.addf %add3A_972, %slice3A_973 : vector<8x512xf32>
      %slice3A_975 = vector.extract_strided_slice %transpose3A_957 {offsets = [72, 0], sizes = [8, 512], strides = [1, 1]} : vector<128x512xf32> to vector<8x512xf32>
      %add3A_976 = arith.addf %add3A_974, %slice3A_975 : vector<8x512xf32>
      %slice3A_977 = vector.extract_strided_slice %transpose3A_957 {offsets = [80, 0], sizes = [8, 512], strides = [1, 1]} : vector<128x512xf32> to vector<8x512xf32>
      %add3A_978 = arith.addf %add3A_976, %slice3A_977 : vector<8x512xf32>
      %slice3A_979 = vector.extract_strided_slice %transpose3A_957 {offsets = [88, 0], sizes = [8, 512], strides = [1, 1]} : vector<128x512xf32> to vector<8x512xf32>
      %add3A_980 = arith.addf %add3A_978, %slice3A_979 : vector<8x512xf32>
      %slice3A_981 = vector.extract_strided_slice %transpose3A_957 {offsets = [96, 0], sizes = [8, 512], strides = [1, 1]} : vector<128x512xf32> to vector<8x512xf32>
      %add3A_982 = arith.addf %add3A_980, %slice3A_981 : vector<8x512xf32>
      %slice3A_983 = vector.extract_strided_slice %transpose3A_957 {offsets = [104, 0], sizes = [8, 512], strides = [1, 1]} : vector<128x512xf32> to vector<8x512xf32>
      %add3A_984 = arith.addf %add3A_982, %slice3A_983 : vector<8x512xf32>
      %slice3A_985 = vector.extract_strided_slice %transpose3A_957 {offsets = [112, 0], sizes = [8, 512], strides = [1, 1]} : vector<128x512xf32> to vector<8x512xf32>
      %add3A_986 = arith.addf %add3A_984, %slice3A_985 : vector<8x512xf32>
      %slice3A_987 = vector.extract_strided_slice %transpose3A_957 {offsets = [120, 0], sizes = [8, 512], strides = [1, 1]} : vector<128x512xf32> to vector<8x512xf32>
      %add3A_988 = arith.addf %add3A_986, %slice3A_987 : vector<8x512xf32>
      %slice3A_989 = vector.extract_strided_slice %add3A_988 {offsets = [0, 0], sizes = [4, 512], strides = [1, 1]} : vector<8x512xf32> to vector<4x512xf32>
      %slice3A_990 = vector.extract_strided_slice %add3A_988 {offsets = [4, 0], sizes = [4, 512], strides = [1, 1]} : vector<8x512xf32> to vector<4x512xf32>
      %add3A_991 = arith.addf %slice3A_989, %slice3A_990 : vector<4x512xf32>
      %slice3A_992 = vector.extract_strided_slice %add3A_991 {offsets = [0, 0], sizes = [2, 512], strides = [1, 1]} : vector<4x512xf32> to vector<2x512xf32>
      %slice3A_993 = vector.extract_strided_slice %add3A_991 {offsets = [2, 0], sizes = [2, 512], strides = [1, 1]} : vector<4x512xf32> to vector<2x512xf32>
      %add3A_994 = arith.addf %slice3A_992, %slice3A_993 : vector<2x512xf32>
      %slice3A_995 = vector.extract_strided_slice %add3A_994 {offsets = [0, 0], sizes = [1, 512], strides = [1, 1]} : vector<2x512xf32> to vector<1x512xf32>
      %slice3A_996 = vector.extract_strided_slice %add3A_994 {offsets = [1, 0], sizes = [1, 512], strides = [1, 1]} : vector<2x512xf32> to vector<1x512xf32>
      %add3A_997 = arith.addf %slice3A_995, %slice3A_996 : vector<1x512xf32>
      %mul3A_998 = arith.constant 512 : i32
      %mul3A_999 = arith.muli %scan3A_947, %mul3A_998 : i32
      %swap3A_1000 = arith.constant 0 : index
      %swap3A_1001 = arith.index_cast %mul3A_999 : i32 to index
      %swap3A_1002 = vector.load %arg7[%swap3A_1000, %swap3A_1001] : memref<1x8192xf32, #tpu.memory_space<vmem>>, vector<1x512xf32>
      tpu.vector_store %arg7[%swap3A_1000, %swap3A_1001], %add3A_997 {strides = array<i32>} : memref<1x8192xf32, #tpu.memory_space<vmem>>, vector<1x512xf32>,
      %scan3A_1003 = arith.constant 14 : i32
      %mul3A_1004 = arith.constant 512 : i32
      %mul3A_1005 = arith.muli %scan3A_1003, %mul3A_1004 : i32
      %get3A_1006 = arith.index_cast %mul3A_1005 : i32 to index
      %get3A_1007 = arith.constant 0 : index
      %get3A_1008 = vector.load %arg2[%get3A_1006, %get3A_1007] : memref<8192x256xf32, #tpu.memory_space<vmem>>, vector<512x256xf32>
      %mul3A_1009 = arith.mulf %get3A_1008, %get3A_1008 : vector<512x256xf32>
      %slice3A_1010 = vector.extract_strided_slice %mul3A_1009 {offsets = [0, 0], sizes = [512, 128], strides = [1, 1]} : vector<512x256xf32> to vector<512x128xf32>
      %slice3A_1011 = vector.extract_strided_slice %mul3A_1009 {offsets = [0, 128], sizes = [512, 128], strides = [1, 1]} : vector<512x256xf32> to vector<512x128xf32>
      %add3A_1012 = arith.addf %slice3A_1010, %slice3A_1011 : vector<512x128xf32>
      %transpose3A_1013 = tpu.transpose %add3A_1012, [1, 0] : vector<512x128xf32> -> vector<128x512xf32>
      %slice3A_1014 = vector.extract_strided_slice %transpose3A_1013 {offsets = [0, 0], sizes = [8, 512], strides = [1, 1]} : vector<128x512xf32> to vector<8x512xf32>
      %slice3A_1015 = vector.extract_strided_slice %transpose3A_1013 {offsets = [8, 0], sizes = [8, 512], strides = [1, 1]} : vector<128x512xf32> to vector<8x512xf32>
      %add3A_1016 = arith.addf %slice3A_1014, %slice3A_1015 : vector<8x512xf32>
      %slice3A_1017 = vector.extract_strided_slice %transpose3A_1013 {offsets = [16, 0], sizes = [8, 512], strides = [1, 1]} : vector<128x512xf32> to vector<8x512xf32>
      %add3A_1018 = arith.addf %add3A_1016, %slice3A_1017 : vector<8x512xf32>
      %slice3A_1019 = vector.extract_strided_slice %transpose3A_1013 {offsets = [24, 0], sizes = [8, 512], strides = [1, 1]} : vector<128x512xf32> to vector<8x512xf32>
      %add3A_1020 = arith.addf %add3A_1018, %slice3A_1019 : vector<8x512xf32>
      %slice3A_1021 = vector.extract_strided_slice %transpose3A_1013 {offsets = [32, 0], sizes = [8, 512], strides = [1, 1]} : vector<128x512xf32> to vector<8x512xf32>
      %add3A_1022 = arith.addf %add3A_1020, %slice3A_1021 : vector<8x512xf32>
      %slice3A_1023 = vector.extract_strided_slice %transpose3A_1013 {offsets = [40, 0], sizes = [8, 512], strides = [1, 1]} : vector<128x512xf32> to vector<8x512xf32>
      %add3A_1024 = arith.addf %add3A_1022, %slice3A_1023 : vector<8x512xf32>
      %slice3A_1025 = vector.extract_strided_slice %transpose3A_1013 {offsets = [48, 0], sizes = [8, 512], strides = [1, 1]} : vector<128x512xf32> to vector<8x512xf32>
      %add3A_1026 = arith.addf %add3A_1024, %slice3A_1025 : vector<8x512xf32>
      %slice3A_1027 = vector.extract_strided_slice %transpose3A_1013 {offsets = [56, 0], sizes = [8, 512], strides = [1, 1]} : vector<128x512xf32> to vector<8x512xf32>
      %add3A_1028 = arith.addf %add3A_1026, %slice3A_1027 : vector<8x512xf32>
      %slice3A_1029 = vector.extract_strided_slice %transpose3A_1013 {offsets = [64, 0], sizes = [8, 512], strides = [1, 1]} : vector<128x512xf32> to vector<8x512xf32>
      %add3A_1030 = arith.addf %add3A_1028, %slice3A_1029 : vector<8x512xf32>
      %slice3A_1031 = vector.extract_strided_slice %transpose3A_1013 {offsets = [72, 0], sizes = [8, 512], strides = [1, 1]} : vector<128x512xf32> to vector<8x512xf32>
      %add3A_1032 = arith.addf %add3A_1030, %slice3A_1031 : vector<8x512xf32>
      %slice3A_1033 = vector.extract_strided_slice %transpose3A_1013 {offsets = [80, 0], sizes = [8, 512], strides = [1, 1]} : vector<128x512xf32> to vector<8x512xf32>
      %add3A_1034 = arith.addf %add3A_1032, %slice3A_1033 : vector<8x512xf32>
      %slice3A_1035 = vector.extract_strided_slice %transpose3A_1013 {offsets = [88, 0], sizes = [8, 512], strides = [1, 1]} : vector<128x512xf32> to vector<8x512xf32>
      %add3A_1036 = arith.addf %add3A_1034, %slice3A_1035 : vector<8x512xf32>
      %slice3A_1037 = vector.extract_strided_slice %transpose3A_1013 {offsets = [96, 0], sizes = [8, 512], strides = [1, 1]} : vector<128x512xf32> to vector<8x512xf32>
      %add3A_1038 = arith.addf %add3A_1036, %slice3A_1037 : vector<8x512xf32>
      %slice3A_1039 = vector.extract_strided_slice %transpose3A_1013 {offsets = [104, 0], sizes = [8, 512], strides = [1, 1]} : vector<128x512xf32> to vector<8x512xf32>
      %add3A_1040 = arith.addf %add3A_1038, %slice3A_1039 : vector<8x512xf32>
      %slice3A_1041 = vector.extract_strided_slice %transpose3A_1013 {offsets = [112, 0], sizes = [8, 512], strides = [1, 1]} : vector<128x512xf32> to vector<8x512xf32>
      %add3A_1042 = arith.addf %add3A_1040, %slice3A_1041 : vector<8x512xf32>
      %slice3A_1043 = vector.extract_strided_slice %transpose3A_1013 {offsets = [120, 0], sizes = [8, 512], strides = [1, 1]} : vector<128x512xf32> to vector<8x512xf32>
      %add3A_1044 = arith.addf %add3A_1042, %slice3A_1043 : vector<8x512xf32>
      %slice3A_1045 = vector.extract_strided_slice %add3A_1044 {offsets = [0, 0], sizes = [4, 512], strides = [1, 1]} : vector<8x512xf32> to vector<4x512xf32>
      %slice3A_1046 = vector.extract_strided_slice %add3A_1044 {offsets = [4, 0], sizes = [4, 512], strides = [1, 1]} : vector<8x512xf32> to vector<4x512xf32>
      %add3A_1047 = arith.addf %slice3A_1045, %slice3A_1046 : vector<4x512xf32>
      %slice3A_1048 = vector.extract_strided_slice %add3A_1047 {offsets = [0, 0], sizes = [2, 512], strides = [1, 1]} : vector<4x512xf32> to vector<2x512xf32>
      %slice3A_1049 = vector.extract_strided_slice %add3A_1047 {offsets = [2, 0], sizes = [2, 512], strides = [1, 1]} : vector<4x512xf32> to vector<2x512xf32>
      %add3A_1050 = arith.addf %slice3A_1048, %slice3A_1049 : vector<2x512xf32>
      %slice3A_1051 = vector.extract_strided_slice %add3A_1050 {offsets = [0, 0], sizes = [1, 512], strides = [1, 1]} : vector<2x512xf32> to vector<1x512xf32>
      %slice3A_1052 = vector.extract_strided_slice %add3A_1050 {offsets = [1, 0], sizes = [1, 512], strides = [1, 1]} : vector<2x512xf32> to vector<1x512xf32>
      %add3A_1053 = arith.addf %slice3A_1051, %slice3A_1052 : vector<1x512xf32>
      %mul3A_1054 = arith.constant 512 : i32
      %mul3A_1055 = arith.muli %scan3A_1003, %mul3A_1054 : i32
      %swap3A_1056 = arith.constant 0 : index
      %swap3A_1057 = arith.index_cast %mul3A_1055 : i32 to index
      %swap3A_1058 = vector.load %arg7[%swap3A_1056, %swap3A_1057] : memref<1x8192xf32, #tpu.memory_space<vmem>>, vector<1x512xf32>
      tpu.vector_store %arg7[%swap3A_1056, %swap3A_1057], %add3A_1053 {strides = array<i32>} : memref<1x8192xf32, #tpu.memory_space<vmem>>, vector<1x512xf32>,
      %scan3A_1059 = arith.constant 15 : i32
      %mul3A_1060 = arith.constant 512 : i32
      %mul3A_1061 = arith.muli %scan3A_1059, %mul3A_1060 : i32
      %get3A_1062 = arith.index_cast %mul3A_1061 : i32 to index
      %get3A_1063 = arith.constant 0 : index
      %get3A_1064 = vector.load %arg2[%get3A_1062, %get3A_1063] : memref<8192x256xf32, #tpu.memory_space<vmem>>, vector<512x256xf32>
      %mul3A_1065 = arith.mulf %get3A_1064, %get3A_1064 : vector<512x256xf32>
      %slice3A_1066 = vector.extract_strided_slice %mul3A_1065 {offsets = [0, 0], sizes = [512, 128], strides = [1, 1]} : vector<512x256xf32> to vector<512x128xf32>
      %slice3A_1067 = vector.extract_strided_slice %mul3A_1065 {offsets = [0, 128], sizes = [512, 128], strides = [1, 1]} : vector<512x256xf32> to vector<512x128xf32>
      %add3A_1068 = arith.addf %slice3A_1066, %slice3A_1067 : vector<512x128xf32>
      %transpose3A_1069 = tpu.transpose %add3A_1068, [1, 0] : vector<512x128xf32> -> vector<128x512xf32>
      %slice3A_1070 = vector.extract_strided_slice %transpose3A_1069 {offsets = [0, 0], sizes = [8, 512], strides = [1, 1]} : vector<128x512xf32> to vector<8x512xf32>
      %slice3A_1071 = vector.extract_strided_slice %transpose3A_1069 {offsets = [8, 0], sizes = [8, 512], strides = [1, 1]} : vector<128x512xf32> to vector<8x512xf32>
      %add3A_1072 = arith.addf %slice3A_1070, %slice3A_1071 : vector<8x512xf32>
      %slice3A_1073 = vector.extract_strided_slice %transpose3A_1069 {offsets = [16, 0], sizes = [8, 512], strides = [1, 1]} : vector<128x512xf32> to vector<8x512xf32>
      %add3A_1074 = arith.addf %add3A_1072, %slice3A_1073 : vector<8x512xf32>
      %slice3A_1075 = vector.extract_strided_slice %transpose3A_1069 {offsets = [24, 0], sizes = [8, 512], strides = [1, 1]} : vector<128x512xf32> to vector<8x512xf32>
      %add3A_1076 = arith.addf %add3A_1074, %slice3A_1075 : vector<8x512xf32>
      %slice3A_1077 = vector.extract_strided_slice %transpose3A_1069 {offsets = [32, 0], sizes = [8, 512], strides = [1, 1]} : vector<128x512xf32> to vector<8x512xf32>
      %add3A_1078 = arith.addf %add3A_1076, %slice3A_1077 : vector<8x512xf32>
      %slice3A_1079 = vector.extract_strided_slice %transpose3A_1069 {offsets = [40, 0], sizes = [8, 512], strides = [1, 1]} : vector<128x512xf32> to vector<8x512xf32>
      %add3A_1080 = arith.addf %add3A_1078, %slice3A_1079 : vector<8x512xf32>
      %slice3A_1081 = vector.extract_strided_slice %transpose3A_1069 {offsets = [48, 0], sizes = [8, 512], strides = [1, 1]} : vector<128x512xf32> to vector<8x512xf32>
      %add3A_1082 = arith.addf %add3A_1080, %slice3A_1081 : vector<8x512xf32>
      %slice3A_1083 = vector.extract_strided_slice %transpose3A_1069 {offsets = [56, 0], sizes = [8, 512], strides = [1, 1]} : vector<128x512xf32> to vector<8x512xf32>
      %add3A_1084 = arith.addf %add3A_1082, %slice3A_1083 : vector<8x512xf32>
      %slice3A_1085 = vector.extract_strided_slice %transpose3A_1069 {offsets = [64, 0], sizes = [8, 512], strides = [1, 1]} : vector<128x512xf32> to vector<8x512xf32>
      %add3A_1086 = arith.addf %add3A_1084, %slice3A_1085 : vector<8x512xf32>
      %slice3A_1087 = vector.extract_strided_slice %transpose3A_1069 {offsets = [72, 0], sizes = [8, 512], strides = [1, 1]} : vector<128x512xf32> to vector<8x512xf32>
      %add3A_1088 = arith.addf %add3A_1086, %slice3A_1087 : vector<8x512xf32>
      %slice3A_1089 = vector.extract_strided_slice %transpose3A_1069 {offsets = [80, 0], sizes = [8, 512], strides = [1, 1]} : vector<128x512xf32> to vector<8x512xf32>
      %add3A_1090 = arith.addf %add3A_1088, %slice3A_1089 : vector<8x512xf32>
      %slice3A_1091 = vector.extract_strided_slice %transpose3A_1069 {offsets = [88, 0], sizes = [8, 512], strides = [1, 1]} : vector<128x512xf32> to vector<8x512xf32>
      %add3A_1092 = arith.addf %add3A_1090, %slice3A_1091 : vector<8x512xf32>
      %slice3A_1093 = vector.extract_strided_slice %transpose3A_1069 {offsets = [96, 0], sizes = [8, 512], strides = [1, 1]} : vector<128x512xf32> to vector<8x512xf32>
      %add3A_1094 = arith.addf %add3A_1092, %slice3A_1093 : vector<8x512xf32>
      %slice3A_1095 = vector.extract_strided_slice %transpose3A_1069 {offsets = [104, 0], sizes = [8, 512], strides = [1, 1]} : vector<128x512xf32> to vector<8x512xf32>
      %add3A_1096 = arith.addf %add3A_1094, %slice3A_1095 : vector<8x512xf32>
      %slice3A_1097 = vector.extract_strided_slice %transpose3A_1069 {offsets = [112, 0], sizes = [8, 512], strides = [1, 1]} : vector<128x512xf32> to vector<8x512xf32>
      %add3A_1098 = arith.addf %add3A_1096, %slice3A_1097 : vector<8x512xf32>
      %slice3A_1099 = vector.extract_strided_slice %transpose3A_1069 {offsets = [120, 0], sizes = [8, 512], strides = [1, 1]} : vector<128x512xf32> to vector<8x512xf32>
      %add3A_1100 = arith.addf %add3A_1098, %slice3A_1099 : vector<8x512xf32>
      %slice3A_1101 = vector.extract_strided_slice %add3A_1100 {offsets = [0, 0], sizes = [4, 512], strides = [1, 1]} : vector<8x512xf32> to vector<4x512xf32>
      %slice3A_1102 = vector.extract_strided_slice %add3A_1100 {offsets = [4, 0], sizes = [4, 512], strides = [1, 1]} : vector<8x512xf32> to vector<4x512xf32>
      %add3A_1103 = arith.addf %slice3A_1101, %slice3A_1102 : vector<4x512xf32>
      %slice3A_1104 = vector.extract_strided_slice %add3A_1103 {offsets = [0, 0], sizes = [2, 512], strides = [1, 1]} : vector<4x512xf32> to vector<2x512xf32>
      %slice3A_1105 = vector.extract_strided_slice %add3A_1103 {offsets = [2, 0], sizes = [2, 512], strides = [1, 1]} : vector<4x512xf32> to vector<2x512xf32>
      %add3A_1106 = arith.addf %slice3A_1104, %slice3A_1105 : vector<2x512xf32>
      %slice3A_1107 = vector.extract_strided_slice %add3A_1106 {offsets = [0, 0], sizes = [1, 512], strides = [1, 1]} : vector<2x512xf32> to vector<1x512xf32>
      %slice3A_1108 = vector.extract_strided_slice %add3A_1106 {offsets = [1, 0], sizes = [1, 512], strides = [1, 1]} : vector<2x512xf32> to vector<1x512xf32>
      %add3A_1109 = arith.addf %slice3A_1107, %slice3A_1108 : vector<1x512xf32>
      %mul3A_1110 = arith.constant 512 : i32
      %mul3A_1111 = arith.muli %scan3A_1059, %mul3A_1110 : i32
      %swap3A_1112 = arith.constant 0 : index
      %swap3A_1113 = arith.index_cast %mul3A_1111 : i32 to index
      %swap3A_1114 = vector.load %arg7[%swap3A_1112, %swap3A_1113] : memref<1x8192xf32, #tpu.memory_space<vmem>>, vector<1x512xf32>
      tpu.vector_store %arg7[%swap3A_1112, %swap3A_1113], %add3A_1109 {strides = array<i32>} : memref<1x8192xf32, #tpu.memory_space<vmem>>, vector<1x512xf32>,
      %scan3A_1115 = arith.constant 16 : i32
    } else {
    }
    %get3A_47 = arith.constant 0 : index
    %get3A_48 = arith.constant 0 : index
    %get3A_49 = vector.load %arg2[%get3A_47, %get3A_48] : memref<8192x256xf32, #tpu.memory_space<vmem>>, vector<512x256xf32>
    %get3A_50 = arith.constant 0 : index
    %get3A_51 = arith.constant 0 : index
    %get3A_52 = vector.load %arg7[%get3A_50, %get3A_51] : memref<1x8192xf32, #tpu.memory_space<vmem>>, vector<1x512xf32>
    %dot_general3A = arith.constant dense<0.000000e+00> : vector<2048x512xf32>
    %dot_general3A_53 = tpu.matmul %add3A_44, %get3A_49, %dot_general3A {dimension_numbers = #tpu.dot_dimension_numbers<[1], [1], [0], [0], [0, 0, 1, 0], [], []>, transpose_lhs_hint = false} : vector<2048x256xf32>, vector<512x256xf32>, vector<2048x512xf32> -> vector<2048x512xf32>
    %add3A_54 = vector.broadcast %transpose3A_43 : vector<2048x1xf32> to vector<2048x512xf32>
    %add3A_55 = vector.broadcast %get3A_52 : vector<1x512xf32> to vector<2048x512xf32>
    %add3A_56 = arith.addf %add3A_54, %add3A_55 : vector<2048x512xf32>
    %sub3A = arith.subf %add3A_56, %dot_general3A_53 : vector<2048x512xf32>
    %swap3A = arith.constant 0 : index
    %swap3A_57 = arith.constant 0 : index
    %swap3A_58 = vector.load %arg5[%swap3A, %swap3A_57] : memref<2048x512xf32, #tpu.memory_space<vmem>>, vector<2048x512xf32>
    tpu.vector_store %arg5[%swap3A, %swap3A_57], %sub3A {strides = array<i32>} : memref<2048x512xf32, #tpu.memory_space<vmem>>, vector<2048x512xf32>,
    %broadcast_in_dim3A = arith.constant 0.000000e+00 : f32
    %broadcast_in_dim3A_59 = vector.broadcast %broadcast_in_dim3A : f32 to vector<2048x512xf32>
    %swap3A_60 = arith.constant 0 : index
    %swap3A_61 = arith.constant 0 : index
    %swap3A_62 = vector.load %arg6[%swap3A_60, %swap3A_61] : memref<2048x512xf32, #tpu.memory_space<vmem>>, vector<2048x512xf32>
    tpu.vector_store %arg6[%swap3A_60, %swap3A_61], %broadcast_in_dim3A_59 {strides = array<i32>} : memref<2048x512xf32, #tpu.memory_space<vmem>>, vector<2048x512xf32>,
    %scan3A = arith.constant 1 : i32
    %scan3A_63 = arith.constant 12 : i32
    %scan3A_64 = arith.addi %scan3A, %scan3A_63 : i32
    %scan3A_65 = arith.constant 4 : i32
    scf.for %scan3A_219 = %scan3A to %scan3A_64 step %scan3A_65  : i32 {
      %mul3A_220 = arith.constant 512 : i32
      %mul3A_221 = arith.muli %scan3A_219, %mul3A_220 : i32
      %get3A_222 = arith.index_cast %mul3A_221 : i32 to index
      %get3A_223 = arith.constant 0 : index
      %get3A_224 = vector.load %arg2[%get3A_222, %get3A_223] : memref<8192x256xf32, #tpu.memory_space<vmem>>, vector<512x256xf32>
      %mul3A_225 = arith.constant 512 : i32
      %mul3A_226 = arith.muli %scan3A_219, %mul3A_225 : i32
      %get3A_227 = arith.constant 0 : index
      %get3A_228 = arith.index_cast %mul3A_226 : i32 to index
      %get3A_229 = vector.load %arg7[%get3A_227, %get3A_228] : memref<1x8192xf32, #tpu.memory_space<vmem>>, vector<1x512xf32>
      %dot_general3A_230 = arith.constant dense<0.000000e+00> : vector<2048x512xf32>
      %dot_general3A_231 = tpu.matmul %add3A_44, %get3A_224, %dot_general3A_230 {dimension_numbers = #tpu.dot_dimension_numbers<[1], [1], [0], [0], [0, 0, 1, 0], [], []>, transpose_lhs_hint = false} : vector<2048x256xf32>, vector<512x256xf32>, vector<2048x512xf32> -> vector<2048x512xf32>
      %add3A_232 = vector.broadcast %transpose3A_43 : vector<2048x1xf32> to vector<2048x512xf32>
      %add3A_233 = vector.broadcast %get3A_229 : vector<1x512xf32> to vector<2048x512xf32>
      %add3A_234 = arith.addf %add3A_232, %add3A_233 : vector<2048x512xf32>
      %sub3A_235 = arith.subf %add3A_234, %dot_general3A_231 : vector<2048x512xf32>
      %get3A_236 = arith.constant 0 : index
      %get3A_237 = arith.constant 0 : index
      %get3A_238 = vector.load %arg5[%get3A_236, %get3A_237] : memref<2048x512xf32, #tpu.memory_space<vmem>>, vector<2048x512xf32>
      %lt3A_239 = arith.cmpf olt, %sub3A_235, %get3A_238 : vector<2048x512xf32>
      %get3A_240 = arith.constant 0 : index
      %get3A_241 = arith.constant 0 : index
      %get3A_242 = vector.load %arg5[%get3A_240, %get3A_241] : memref<2048x512xf32, #tpu.memory_space<vmem>>, vector<2048x512xf32>
      %select_n3A_243 = arith.select %lt3A_239, %sub3A_235, %get3A_242 : vector<2048x512xi1>, vector<2048x512xf32>
      %swap3A_244 = arith.constant 0 : index
      %swap3A_245 = arith.constant 0 : index
      %swap3A_246 = vector.load %arg5[%swap3A_244, %swap3A_245] : memref<2048x512xf32, #tpu.memory_space<vmem>>, vector<2048x512xf32>
      tpu.vector_store %arg5[%swap3A_244, %swap3A_245], %select_n3A_243 {strides = array<i32>} : memref<2048x512xf32, #tpu.memory_space<vmem>>, vector<2048x512xf32>,
      %convert_element_type3A_247 = arith.sitofp %scan3A_219 : i32 to f32
      %get3A_248 = arith.constant 0 : index
      %get3A_249 = arith.constant 0 : index
      %get3A_250 = vector.load %arg6[%get3A_248, %get3A_249] : memref<2048x512xf32, #tpu.memory_space<vmem>>, vector<2048x512xf32>
      %broadcast_in_dim3A_251 = vector.broadcast %convert_element_type3A_247 : f32 to vector<2048x512xf32>
      %select_n3A_252 = arith.select %lt3A_239, %broadcast_in_dim3A_251, %get3A_250 : vector<2048x512xi1>, vector<2048x512xf32>
      %swap3A_253 = arith.constant 0 : index
      %swap3A_254 = arith.constant 0 : index
      %swap3A_255 = vector.load %arg6[%swap3A_253, %swap3A_254] : memref<2048x512xf32, #tpu.memory_space<vmem>>, vector<2048x512xf32>
      tpu.vector_store %arg6[%swap3A_253, %swap3A_254], %select_n3A_252 {strides = array<i32>} : memref<2048x512xf32, #tpu.memory_space<vmem>>, vector<2048x512xf32>,
      %scan3A_256 = arith.constant 1 : i32
      %scan3A_257 = arith.addi %scan3A_219, %scan3A_256 : i32
      %mul3A_258 = arith.constant 512 : i32
      %mul3A_259 = arith.muli %scan3A_257, %mul3A_258 : i32
      %get3A_260 = arith.index_cast %mul3A_259 : i32 to index
      %get3A_261 = arith.constant 0 : index
      %get3A_262 = vector.load %arg2[%get3A_260, %get3A_261] : memref<8192x256xf32, #tpu.memory_space<vmem>>, vector<512x256xf32>
      %mul3A_263 = arith.constant 512 : i32
      %mul3A_264 = arith.muli %scan3A_257, %mul3A_263 : i32
      %get3A_265 = arith.constant 0 : index
      %get3A_266 = arith.index_cast %mul3A_264 : i32 to index
      %get3A_267 = vector.load %arg7[%get3A_265, %get3A_266] : memref<1x8192xf32, #tpu.memory_space<vmem>>, vector<1x512xf32>
      %dot_general3A_268 = arith.constant dense<0.000000e+00> : vector<2048x512xf32>
      %dot_general3A_269 = tpu.matmul %add3A_44, %get3A_262, %dot_general3A_268 {dimension_numbers = #tpu.dot_dimension_numbers<[1], [1], [0], [0], [0, 0, 1, 0], [], []>, transpose_lhs_hint = false} : vector<2048x256xf32>, vector<512x256xf32>, vector<2048x512xf32> -> vector<2048x512xf32>
      %add3A_270 = vector.broadcast %transpose3A_43 : vector<2048x1xf32> to vector<2048x512xf32>
      %add3A_271 = vector.broadcast %get3A_267 : vector<1x512xf32> to vector<2048x512xf32>
      %add3A_272 = arith.addf %add3A_270, %add3A_271 : vector<2048x512xf32>
      %sub3A_273 = arith.subf %add3A_272, %dot_general3A_269 : vector<2048x512xf32>
      %get3A_274 = arith.constant 0 : index
      %get3A_275 = arith.constant 0 : index
      %get3A_276 = vector.load %arg5[%get3A_274, %get3A_275] : memref<2048x512xf32, #tpu.memory_space<vmem>>, vector<2048x512xf32>
      %lt3A_277 = arith.cmpf olt, %sub3A_273, %get3A_276 : vector<2048x512xf32>
      %get3A_278 = arith.constant 0 : index
      %get3A_279 = arith.constant 0 : index
      %get3A_280 = vector.load %arg5[%get3A_278, %get3A_279] : memref<2048x512xf32, #tpu.memory_space<vmem>>, vector<2048x512xf32>
      %select_n3A_281 = arith.select %lt3A_277, %sub3A_273, %get3A_280 : vector<2048x512xi1>, vector<2048x512xf32>
      %swap3A_282 = arith.constant 0 : index
      %swap3A_283 = arith.constant 0 : index
      %swap3A_284 = vector.load %arg5[%swap3A_282, %swap3A_283] : memref<2048x512xf32, #tpu.memory_space<vmem>>, vector<2048x512xf32>
      tpu.vector_store %arg5[%swap3A_282, %swap3A_283], %select_n3A_281 {strides = array<i32>} : memref<2048x512xf32, #tpu.memory_space<vmem>>, vector<2048x512xf32>,
      %convert_element_type3A_285 = arith.sitofp %scan3A_257 : i32 to f32
      %get3A_286 = arith.constant 0 : index
      %get3A_287 = arith.constant 0 : index
      %get3A_288 = vector.load %arg6[%get3A_286, %get3A_287] : memref<2048x512xf32, #tpu.memory_space<vmem>>, vector<2048x512xf32>
      %broadcast_in_dim3A_289 = vector.broadcast %convert_element_type3A_285 : f32 to vector<2048x512xf32>
      %select_n3A_290 = arith.select %lt3A_277, %broadcast_in_dim3A_289, %get3A_288 : vector<2048x512xi1>, vector<2048x512xf32>
      %swap3A_291 = arith.constant 0 : index
      %swap3A_292 = arith.constant 0 : index
      %swap3A_293 = vector.load %arg6[%swap3A_291, %swap3A_292] : memref<2048x512xf32, #tpu.memory_space<vmem>>, vector<2048x512xf32>
      tpu.vector_store %arg6[%swap3A_291, %swap3A_292], %select_n3A_290 {strides = array<i32>} : memref<2048x512xf32, #tpu.memory_space<vmem>>, vector<2048x512xf32>,
      %scan3A_294 = arith.constant 2 : i32
      %scan3A_295 = arith.addi %scan3A_219, %scan3A_294 : i32
      %mul3A_296 = arith.constant 512 : i32
      %mul3A_297 = arith.muli %scan3A_295, %mul3A_296 : i32
      %get3A_298 = arith.index_cast %mul3A_297 : i32 to index
      %get3A_299 = arith.constant 0 : index
      %get3A_300 = vector.load %arg2[%get3A_298, %get3A_299] : memref<8192x256xf32, #tpu.memory_space<vmem>>, vector<512x256xf32>
      %mul3A_301 = arith.constant 512 : i32
      %mul3A_302 = arith.muli %scan3A_295, %mul3A_301 : i32
      %get3A_303 = arith.constant 0 : index
      %get3A_304 = arith.index_cast %mul3A_302 : i32 to index
      %get3A_305 = vector.load %arg7[%get3A_303, %get3A_304] : memref<1x8192xf32, #tpu.memory_space<vmem>>, vector<1x512xf32>
      %dot_general3A_306 = arith.constant dense<0.000000e+00> : vector<2048x512xf32>
      %dot_general3A_307 = tpu.matmul %add3A_44, %get3A_300, %dot_general3A_306 {dimension_numbers = #tpu.dot_dimension_numbers<[1], [1], [0], [0], [0, 0, 1, 0], [], []>, transpose_lhs_hint = false} : vector<2048x256xf32>, vector<512x256xf32>, vector<2048x512xf32> -> vector<2048x512xf32>
      %add3A_308 = vector.broadcast %transpose3A_43 : vector<2048x1xf32> to vector<2048x512xf32>
      %add3A_309 = vector.broadcast %get3A_305 : vector<1x512xf32> to vector<2048x512xf32>
      %add3A_310 = arith.addf %add3A_308, %add3A_309 : vector<2048x512xf32>
      %sub3A_311 = arith.subf %add3A_310, %dot_general3A_307 : vector<2048x512xf32>
      %get3A_312 = arith.constant 0 : index
      %get3A_313 = arith.constant 0 : index
      %get3A_314 = vector.load %arg5[%get3A_312, %get3A_313] : memref<2048x512xf32, #tpu.memory_space<vmem>>, vector<2048x512xf32>
      %lt3A_315 = arith.cmpf olt, %sub3A_311, %get3A_314 : vector<2048x512xf32>
      %get3A_316 = arith.constant 0 : index
      %get3A_317 = arith.constant 0 : index
      %get3A_318 = vector.load %arg5[%get3A_316, %get3A_317] : memref<2048x512xf32, #tpu.memory_space<vmem>>, vector<2048x512xf32>
      %select_n3A_319 = arith.select %lt3A_315, %sub3A_311, %get3A_318 : vector<2048x512xi1>, vector<2048x512xf32>
      %swap3A_320 = arith.constant 0 : index
      %swap3A_321 = arith.constant 0 : index
      %swap3A_322 = vector.load %arg5[%swap3A_320, %swap3A_321] : memref<2048x512xf32, #tpu.memory_space<vmem>>, vector<2048x512xf32>
      tpu.vector_store %arg5[%swap3A_320, %swap3A_321], %select_n3A_319 {strides = array<i32>} : memref<2048x512xf32, #tpu.memory_space<vmem>>, vector<2048x512xf32>,
      %convert_element_type3A_323 = arith.sitofp %scan3A_295 : i32 to f32
      %get3A_324 = arith.constant 0 : index
      %get3A_325 = arith.constant 0 : index
      %get3A_326 = vector.load %arg6[%get3A_324, %get3A_325] : memref<2048x512xf32, #tpu.memory_space<vmem>>, vector<2048x512xf32>
      %broadcast_in_dim3A_327 = vector.broadcast %convert_element_type3A_323 : f32 to vector<2048x512xf32>
      %select_n3A_328 = arith.select %lt3A_315, %broadcast_in_dim3A_327, %get3A_326 : vector<2048x512xi1>, vector<2048x512xf32>
      %swap3A_329 = arith.constant 0 : index
      %swap3A_330 = arith.constant 0 : index
      %swap3A_331 = vector.load %arg6[%swap3A_329, %swap3A_330] : memref<2048x512xf32, #tpu.memory_space<vmem>>, vector<2048x512xf32>
      tpu.vector_store %arg6[%swap3A_329, %swap3A_330], %select_n3A_328 {strides = array<i32>} : memref<2048x512xf32, #tpu.memory_space<vmem>>, vector<2048x512xf32>,
      %scan3A_332 = arith.constant 3 : i32
      %scan3A_333 = arith.addi %scan3A_219, %scan3A_332 : i32
      %mul3A_334 = arith.constant 512 : i32
      %mul3A_335 = arith.muli %scan3A_333, %mul3A_334 : i32
      %get3A_336 = arith.index_cast %mul3A_335 : i32 to index
      %get3A_337 = arith.constant 0 : index
      %get3A_338 = vector.load %arg2[%get3A_336, %get3A_337] : memref<8192x256xf32, #tpu.memory_space<vmem>>, vector<512x256xf32>
      %mul3A_339 = arith.constant 512 : i32
      %mul3A_340 = arith.muli %scan3A_333, %mul3A_339 : i32
      %get3A_341 = arith.constant 0 : index
      %get3A_342 = arith.index_cast %mul3A_340 : i32 to index
      %get3A_343 = vector.load %arg7[%get3A_341, %get3A_342] : memref<1x8192xf32, #tpu.memory_space<vmem>>, vector<1x512xf32>
      %dot_general3A_344 = arith.constant dense<0.000000e+00> : vector<2048x512xf32>
      %dot_general3A_345 = tpu.matmul %add3A_44, %get3A_338, %dot_general3A_344 {dimension_numbers = #tpu.dot_dimension_numbers<[1], [1], [0], [0], [0, 0, 1, 0], [], []>, transpose_lhs_hint = false} : vector<2048x256xf32>, vector<512x256xf32>, vector<2048x512xf32> -> vector<2048x512xf32>
      %add3A_346 = vector.broadcast %transpose3A_43 : vector<2048x1xf32> to vector<2048x512xf32>
      %add3A_347 = vector.broadcast %get3A_343 : vector<1x512xf32> to vector<2048x512xf32>
      %add3A_348 = arith.addf %add3A_346, %add3A_347 : vector<2048x512xf32>
      %sub3A_349 = arith.subf %add3A_348, %dot_general3A_345 : vector<2048x512xf32>
      %get3A_350 = arith.constant 0 : index
      %get3A_351 = arith.constant 0 : index
      %get3A_352 = vector.load %arg5[%get3A_350, %get3A_351] : memref<2048x512xf32, #tpu.memory_space<vmem>>, vector<2048x512xf32>
      %lt3A_353 = arith.cmpf olt, %sub3A_349, %get3A_352 : vector<2048x512xf32>
      %get3A_354 = arith.constant 0 : index
      %get3A_355 = arith.constant 0 : index
      %get3A_356 = vector.load %arg5[%get3A_354, %get3A_355] : memref<2048x512xf32, #tpu.memory_space<vmem>>, vector<2048x512xf32>
      %select_n3A_357 = arith.select %lt3A_353, %sub3A_349, %get3A_356 : vector<2048x512xi1>, vector<2048x512xf32>
      %swap3A_358 = arith.constant 0 : index
      %swap3A_359 = arith.constant 0 : index
      %swap3A_360 = vector.load %arg5[%swap3A_358, %swap3A_359] : memref<2048x512xf32, #tpu.memory_space<vmem>>, vector<2048x512xf32>
      tpu.vector_store %arg5[%swap3A_358, %swap3A_359], %select_n3A_357 {strides = array<i32>} : memref<2048x512xf32, #tpu.memory_space<vmem>>, vector<2048x512xf32>,
      %convert_element_type3A_361 = arith.sitofp %scan3A_333 : i32 to f32
      %get3A_362 = arith.constant 0 : index
      %get3A_363 = arith.constant 0 : index
      %get3A_364 = vector.load %arg6[%get3A_362, %get3A_363] : memref<2048x512xf32, #tpu.memory_space<vmem>>, vector<2048x512xf32>
      %broadcast_in_dim3A_365 = vector.broadcast %convert_element_type3A_361 : f32 to vector<2048x512xf32>
      %select_n3A_366 = arith.select %lt3A_353, %broadcast_in_dim3A_365, %get3A_364 : vector<2048x512xi1>, vector<2048x512xf32>
      %swap3A_367 = arith.constant 0 : index
      %swap3A_368 = arith.constant 0 : index
      %swap3A_369 = vector.load %arg6[%swap3A_367, %swap3A_368] : memref<2048x512xf32, #tpu.memory_space<vmem>>, vector<2048x512xf32>
      tpu.vector_store %arg6[%swap3A_367, %swap3A_368], %select_n3A_366 {strides = array<i32>} : memref<2048x512xf32, #tpu.memory_space<vmem>>, vector<2048x512xf32>,
    }
    %scan3A_66 = arith.constant 12 : i32
    %scan3A_67 = arith.addi %scan3A, %scan3A_66 : i32
    %mul3A_68 = arith.constant 512 : i32
    %mul3A_69 = arith.muli %scan3A_67, %mul3A_68 : i32
    %get3A_70 = arith.index_cast %mul3A_69 : i32 to index
    %get3A_71 = arith.constant 0 : index
    %get3A_72 = vector.load %arg2[%get3A_70, %get3A_71] : memref<8192x256xf32, #tpu.memory_space<vmem>>, vector<512x256xf32>
    %mul3A_73 = arith.constant 512 : i32
    %mul3A_74 = arith.muli %scan3A_67, %mul3A_73 : i32
    %get3A_75 = arith.constant 0 : index
    %get3A_76 = arith.index_cast %mul3A_74 : i32 to index
    %get3A_77 = vector.load %arg7[%get3A_75, %get3A_76] : memref<1x8192xf32, #tpu.memory_space<vmem>>, vector<1x512xf32>
    %dot_general3A_78 = arith.constant dense<0.000000e+00> : vector<2048x512xf32>
    %dot_general3A_79 = tpu.matmul %add3A_44, %get3A_72, %dot_general3A_78 {dimension_numbers = #tpu.dot_dimension_numbers<[1], [1], [0], [0], [0, 0, 1, 0], [], []>, transpose_lhs_hint = false} : vector<2048x256xf32>, vector<512x256xf32>, vector<2048x512xf32> -> vector<2048x512xf32>
    %add3A_80 = vector.broadcast %transpose3A_43 : vector<2048x1xf32> to vector<2048x512xf32>
    %add3A_81 = vector.broadcast %get3A_77 : vector<1x512xf32> to vector<2048x512xf32>
    %add3A_82 = arith.addf %add3A_80, %add3A_81 : vector<2048x512xf32>
    %sub3A_83 = arith.subf %add3A_82, %dot_general3A_79 : vector<2048x512xf32>
    %get3A_84 = arith.constant 0 : index
    %get3A_85 = arith.constant 0 : index
    %get3A_86 = vector.load %arg5[%get3A_84, %get3A_85] : memref<2048x512xf32, #tpu.memory_space<vmem>>, vector<2048x512xf32>
    %lt3A = arith.cmpf olt, %sub3A_83, %get3A_86 : vector<2048x512xf32>
    %get3A_87 = arith.constant 0 : index
    %get3A_88 = arith.constant 0 : index
    %get3A_89 = vector.load %arg5[%get3A_87, %get3A_88] : memref<2048x512xf32, #tpu.memory_space<vmem>>, vector<2048x512xf32>
    %select_n3A = arith.select %lt3A, %sub3A_83, %get3A_89 : vector<2048x512xi1>, vector<2048x512xf32>
    %swap3A_90 = arith.constant 0 : index
    %swap3A_91 = arith.constant 0 : index
    %swap3A_92 = vector.load %arg5[%swap3A_90, %swap3A_91] : memref<2048x512xf32, #tpu.memory_space<vmem>>, vector<2048x512xf32>
    tpu.vector_store %arg5[%swap3A_90, %swap3A_91], %select_n3A {strides = array<i32>} : memref<2048x512xf32, #tpu.memory_space<vmem>>, vector<2048x512xf32>,
    %convert_element_type3A_93 = arith.sitofp %scan3A_67 : i32 to f32
    %get3A_94 = arith.constant 0 : index
    %get3A_95 = arith.constant 0 : index
    %get3A_96 = vector.load %arg6[%get3A_94, %get3A_95] : memref<2048x512xf32, #tpu.memory_space<vmem>>, vector<2048x512xf32>
    %broadcast_in_dim3A_97 = vector.broadcast %convert_element_type3A_93 : f32 to vector<2048x512xf32>
    %select_n3A_98 = arith.select %lt3A, %broadcast_in_dim3A_97, %get3A_96 : vector<2048x512xi1>, vector<2048x512xf32>
    %swap3A_99 = arith.constant 0 : index
    %swap3A_100 = arith.constant 0 : index
    %swap3A_101 = vector.load %arg6[%swap3A_99, %swap3A_100] : memref<2048x512xf32, #tpu.memory_space<vmem>>, vector<2048x512xf32>
    tpu.vector_store %arg6[%swap3A_99, %swap3A_100], %select_n3A_98 {strides = array<i32>} : memref<2048x512xf32, #tpu.memory_space<vmem>>, vector<2048x512xf32>,
    %scan3A_102 = arith.constant 13 : i32
    %scan3A_103 = arith.addi %scan3A, %scan3A_102 : i32
    %mul3A_104 = arith.constant 512 : i32
    %mul3A_105 = arith.muli %scan3A_103, %mul3A_104 : i32
    %get3A_106 = arith.index_cast %mul3A_105 : i32 to index
    %get3A_107 = arith.constant 0 : index
    %get3A_108 = vector.load %arg2[%get3A_106, %get3A_107] : memref<8192x256xf32, #tpu.memory_space<vmem>>, vector<512x256xf32>
    %mul3A_109 = arith.constant 512 : i32
    %mul3A_110 = arith.muli %scan3A_103, %mul3A_109 : i32
    %get3A_111 = arith.constant 0 : index
    %get3A_112 = arith.index_cast %mul3A_110 : i32 to index
    %get3A_113 = vector.load %arg7[%get3A_111, %get3A_112] : memref<1x8192xf32, #tpu.memory_space<vmem>>, vector<1x512xf32>
    %dot_general3A_114 = arith.constant dense<0.000000e+00> : vector<2048x512xf32>
    %dot_general3A_115 = tpu.matmul %add3A_44, %get3A_108, %dot_general3A_114 {dimension_numbers = #tpu.dot_dimension_numbers<[1], [1], [0], [0], [0, 0, 1, 0], [], []>, transpose_lhs_hint = false} : vector<2048x256xf32>, vector<512x256xf32>, vector<2048x512xf32> -> vector<2048x512xf32>
    %add3A_116 = vector.broadcast %transpose3A_43 : vector<2048x1xf32> to vector<2048x512xf32>
    %add3A_117 = vector.broadcast %get3A_113 : vector<1x512xf32> to vector<2048x512xf32>
    %add3A_118 = arith.addf %add3A_116, %add3A_117 : vector<2048x512xf32>
    %sub3A_119 = arith.subf %add3A_118, %dot_general3A_115 : vector<2048x512xf32>
    %get3A_120 = arith.constant 0 : index
    %get3A_121 = arith.constant 0 : index
    %get3A_122 = vector.load %arg5[%get3A_120, %get3A_121] : memref<2048x512xf32, #tpu.memory_space<vmem>>, vector<2048x512xf32>
    %lt3A_123 = arith.cmpf olt, %sub3A_119, %get3A_122 : vector<2048x512xf32>
    %get3A_124 = arith.constant 0 : index
    %get3A_125 = arith.constant 0 : index
    %get3A_126 = vector.load %arg5[%get3A_124, %get3A_125] : memref<2048x512xf32, #tpu.memory_space<vmem>>, vector<2048x512xf32>
    %select_n3A_127 = arith.select %lt3A_123, %sub3A_119, %get3A_126 : vector<2048x512xi1>, vector<2048x512xf32>
    %swap3A_128 = arith.constant 0 : index
    %swap3A_129 = arith.constant 0 : index
    %swap3A_130 = vector.load %arg5[%swap3A_128, %swap3A_129] : memref<2048x512xf32, #tpu.memory_space<vmem>>, vector<2048x512xf32>
    tpu.vector_store %arg5[%swap3A_128, %swap3A_129], %select_n3A_127 {strides = array<i32>} : memref<2048x512xf32, #tpu.memory_space<vmem>>, vector<2048x512xf32>,
    %convert_element_type3A_131 = arith.sitofp %scan3A_103 : i32 to f32
    %get3A_132 = arith.constant 0 : index
    %get3A_133 = arith.constant 0 : index
    %get3A_134 = vector.load %arg6[%get3A_132, %get3A_133] : memref<2048x512xf32, #tpu.memory_space<vmem>>, vector<2048x512xf32>
    %broadcast_in_dim3A_135 = vector.broadcast %convert_element_type3A_131 : f32 to vector<2048x512xf32>
    %select_n3A_136 = arith.select %lt3A_123, %broadcast_in_dim3A_135, %get3A_134 : vector<2048x512xi1>, vector<2048x512xf32>
    %swap3A_137 = arith.constant 0 : index
    %swap3A_138 = arith.constant 0 : index
    %swap3A_139 = vector.load %arg6[%swap3A_137, %swap3A_138] : memref<2048x512xf32, #tpu.memory_space<vmem>>, vector<2048x512xf32>
    tpu.vector_store %arg6[%swap3A_137, %swap3A_138], %select_n3A_136 {strides = array<i32>} : memref<2048x512xf32, #tpu.memory_space<vmem>>, vector<2048x512xf32>,
    %scan3A_140 = arith.constant 14 : i32
    %scan3A_141 = arith.addi %scan3A, %scan3A_140 : i32
    %mul3A_142 = arith.constant 512 : i32
    %mul3A_143 = arith.muli %scan3A_141, %mul3A_142 : i32
    %get3A_144 = arith.index_cast %mul3A_143 : i32 to index
    %get3A_145 = arith.constant 0 : index
    %get3A_146 = vector.load %arg2[%get3A_144, %get3A_145] : memref<8192x256xf32, #tpu.memory_space<vmem>>, vector<512x256xf32>
    %mul3A_147 = arith.constant 512 : i32
    %mul3A_148 = arith.muli %scan3A_141, %mul3A_147 : i32
    %get3A_149 = arith.constant 0 : index
    %get3A_150 = arith.index_cast %mul3A_148 : i32 to index
    %get3A_151 = vector.load %arg7[%get3A_149, %get3A_150] : memref<1x8192xf32, #tpu.memory_space<vmem>>, vector<1x512xf32>
    %dot_general3A_152 = arith.constant dense<0.000000e+00> : vector<2048x512xf32>
    %dot_general3A_153 = tpu.matmul %add3A_44, %get3A_146, %dot_general3A_152 {dimension_numbers = #tpu.dot_dimension_numbers<[1], [1], [0], [0], [0, 0, 1, 0], [], []>, transpose_lhs_hint = false} : vector<2048x256xf32>, vector<512x256xf32>, vector<2048x512xf32> -> vector<2048x512xf32>
    %add3A_154 = vector.broadcast %transpose3A_43 : vector<2048x1xf32> to vector<2048x512xf32>
    %add3A_155 = vector.broadcast %get3A_151 : vector<1x512xf32> to vector<2048x512xf32>
    %add3A_156 = arith.addf %add3A_154, %add3A_155 : vector<2048x512xf32>
    %sub3A_157 = arith.subf %add3A_156, %dot_general3A_153 : vector<2048x512xf32>
    %get3A_158 = arith.constant 0 : index
    %get3A_159 = arith.constant 0 : index
    %get3A_160 = vector.load %arg5[%get3A_158, %get3A_159] : memref<2048x512xf32, #tpu.memory_space<vmem>>, vector<2048x512xf32>
    %lt3A_161 = arith.cmpf olt, %sub3A_157, %get3A_160 : vector<2048x512xf32>
    %get3A_162 = arith.constant 0 : index
    %get3A_163 = arith.constant 0 : index
    %get3A_164 = vector.load %arg5[%get3A_162, %get3A_163] : memref<2048x512xf32, #tpu.memory_space<vmem>>, vector<2048x512xf32>
    %select_n3A_165 = arith.select %lt3A_161, %sub3A_157, %get3A_164 : vector<2048x512xi1>, vector<2048x512xf32>
    %swap3A_166 = arith.constant 0 : index
    %swap3A_167 = arith.constant 0 : index
    %swap3A_168 = vector.load %arg5[%swap3A_166, %swap3A_167] : memref<2048x512xf32, #tpu.memory_space<vmem>>, vector<2048x512xf32>
    tpu.vector_store %arg5[%swap3A_166, %swap3A_167], %select_n3A_165 {strides = array<i32>} : memref<2048x512xf32, #tpu.memory_space<vmem>>, vector<2048x512xf32>,
    %convert_element_type3A_169 = arith.sitofp %scan3A_141 : i32 to f32
    %get3A_170 = arith.constant 0 : index
    %get3A_171 = arith.constant 0 : index
    %get3A_172 = vector.load %arg6[%get3A_170, %get3A_171] : memref<2048x512xf32, #tpu.memory_space<vmem>>, vector<2048x512xf32>
    %broadcast_in_dim3A_173 = vector.broadcast %convert_element_type3A_169 : f32 to vector<2048x512xf32>
    %select_n3A_174 = arith.select %lt3A_161, %broadcast_in_dim3A_173, %get3A_172 : vector<2048x512xi1>, vector<2048x512xf32>
    %swap3A_175 = arith.constant 0 : index
    %swap3A_176 = arith.constant 0 : index
    %swap3A_177 = vector.load %arg6[%swap3A_175, %swap3A_176] : memref<2048x512xf32, #tpu.memory_space<vmem>>, vector<2048x512xf32>
    tpu.vector_store %arg6[%swap3A_175, %swap3A_176], %select_n3A_174 {strides = array<i32>} : memref<2048x512xf32, #tpu.memory_space<vmem>>, vector<2048x512xf32>,
    %scan3A_178 = arith.constant 15 : i32
    %get3A_179 = arith.constant 0 : index
    %get3A_180 = arith.constant 0 : index
    %get3A_181 = vector.load %arg5[%get3A_179, %get3A_180] : memref<2048x512xf32, #tpu.memory_space<vmem>>, vector<2048x512xf32>
    %max3A = arith.constant 0.000000e+00 : f32
    %max3A_182 = vector.broadcast %max3A : f32 to vector<2048x512xf32>
    %max3A_183 = arith.maximumf %get3A_181, %max3A_182 : vector<2048x512xf32>
    %sqrt3A = math.sqrt %max3A_183 : vector<2048x512xf32>
    %reduce_min3A = arith.constant dense<0x7F800000> : vector<2048xf32>
    %reduce_min3A_184 = vector.multi_reduction <minimumf>, %sqrt3A, %reduce_min3A [1] : vector<2048x512xf32> to vector<2048xf32>
    %broadcast_in_dim3A_185 = vector.shape_cast %reduce_min3A_184 : vector<2048xf32> to vector<2048x1xf32>
    %iota3A = tpu.iota {dimensions = array<i32: 1>} : vector<2048x512xi32>
    %convert_element_type3A_186 = arith.sitofp %iota3A : vector<2048x512xi32> to vector<2048x512xf32>
    %get3A_187 = arith.constant 0 : index
    %get3A_188 = arith.constant 0 : index
    %get3A_189 = vector.load %arg6[%get3A_187, %get3A_188] : memref<2048x512xf32, #tpu.memory_space<vmem>>, vector<2048x512xf32>
    %mul3A_190 = arith.constant 5.120000e+02 : f32
    %mul3A_191 = vector.broadcast %mul3A_190 : f32 to vector<2048x512xf32>
    %mul3A_192 = arith.mulf %get3A_189, %mul3A_191 : vector<2048x512xf32>
    %add3A_193 = arith.addf %mul3A_192, %convert_element_type3A_186 : vector<2048x512xf32>
    %eq3A_194 = vector.broadcast %broadcast_in_dim3A_185 : vector<2048x1xf32> to vector<2048x512xf32>
    %eq3A_195 = arith.cmpf oeq, %sqrt3A, %eq3A_194 : vector<2048x512xf32>
    %jit3A = arith.constant 8.192000e+03 : f32
    %broadcast_in_dim3A_196 = vector.broadcast %jit3A : f32 to vector<2048x512xf32>
    %select_n3A_197 = arith.select %eq3A_195, %add3A_193, %broadcast_in_dim3A_196 : vector<2048x512xi1>, vector<2048x512xf32>
    %reduce_min3A_198 = arith.constant dense<0x7F800000> : vector<2048xf32>
    %reduce_min3A_199 = vector.multi_reduction <minimumf>, %select_n3A_197, %reduce_min3A_198 [1] : vector<2048x512xf32> to vector<2048xf32>
    %convert_element_type3A_200 = arith.fptosi %reduce_min3A_199 : vector<2048xf32> to vector<2048xi32>
    %swap3A_201 = arith.constant 0 : index
    %swap3A_202 = vector.load %arg3[%swap3A_201] : memref<2048xi32, #tpu.memory_space<vmem>>, vector<2048xi32>
    tpu.vector_store %arg3[%swap3A_201], %convert_element_type3A_200 {strides = array<i32>} : memref<2048xi32, #tpu.memory_space<vmem>>, vector<2048xi32>,
    %mul3A_203 = arith.mulf %broadcast_in_dim3A_185, %broadcast_in_dim3A_185 : vector<2048x1xf32>
    %reduce_sum3A = vector.shape_cast %mul3A_203 : vector<2048x1xf32> to vector<1x2048x1xf32>
    %reduce_sum3A_204 = arith.constant dense<0.000000e+00> : vector<1xf32>
    %reduce_sum3A_205 = vector.multi_reduction <add>, %reduce_sum3A, %reduce_sum3A_204 [1, 2] : vector<1x2048x1xf32> to vector<1xf32>
    %reduce_sum3A_206 = vector.shape_cast %reduce_sum3A_205 : vector<1xf32> to vector<1x1x1xf32>
    %reduce_sum3A_207 = vector.extract %reduce_sum3A_206[0, 0, 0] : f32 from vector<1x1x1xf32>
    %mul3A_208 = arith.constant 2.98023224E-7 : f32
    %mul3A_209 = arith.mulf %reduce_sum3A_207, %mul3A_208 : f32
    %reshape3A = vector.broadcast %mul3A_209 : f32 to vector<1x1xf32>
    %eq3A_210 = arith.constant 0 : i32
    %eq3A_211 = arith.cmpi eq, %arg0, %eq3A_210 : i32
    %convert_element_type3A_212 = arith.extui %eq3A_211 : i1 to i32
    %cond3A_213 = arith.constant 0 : i32
    %cond3A_214 = arith.cmpi ne, %convert_element_type3A_212, %cond3A_213 : i32
    scf.if %cond3A_214 {
      %swap3A_219 = arith.constant 0 : index
      %swap3A_220 = arith.constant 0 : index
      %swap3A_221 = vector.load %arg4[%swap3A_219, %swap3A_220] : memref<1x1xf32, #tpu.memory_space<vmem>>, vector<1x1xf32>
      tpu.vector_store %arg4[%swap3A_219, %swap3A_220], %reshape3A {strides = array<i32>} : memref<1x1xf32, #tpu.memory_space<vmem>>, vector<1x1xf32>,
    } else {
    }
    %gt3A = arith.constant 0 : i32
    %gt3A_215 = arith.cmpi sgt, %arg0, %gt3A : i32
    %convert_element_type3A_216 = arith.extui %gt3A_215 : i1 to i32
    %cond3A_217 = arith.constant 0 : i32
    %cond3A_218 = arith.cmpi ne, %convert_element_type3A_216, %cond3A_217 : i32
    scf.if %cond3A_218 {
      %get3A_219 = arith.constant 0 : index
      %get3A_220 = arith.constant 0 : index
      %get3A_221 = vector.load %arg4[%get3A_219, %get3A_220] : memref<1x1xf32, #tpu.memory_space<vmem>>, vector<1x1xf32>
      %add3A_222 = arith.addf %get3A_221, %reshape3A : vector<1x1xf32>
      %swap3A_223 = arith.constant 0 : index
      %swap3A_224 = arith.constant 0 : index
      %swap3A_225 = vector.load %arg4[%swap3A_223, %swap3A_224] : memref<1x1xf32, #tpu.memory_space<vmem>>, vector<1x1xf32>
      tpu.vector_store %arg4[%swap3A_223, %swap3A_224], %add3A_222 {strides = array<i32>} : memref<1x1xf32, #tpu.memory_space<vmem>>, vector<1x1xf32>,
    } else {
    }
    return
  }
  func.func @transform_0(%arg0: i32) -> (i32, i32) {
    %c0_i32 = arith.constant 0 : i32
    %c0_i32_0 = arith.constant 0 : i32
    return %arg0, %c0_i32 : i32, i32
  }
  func.func @transform_1(%arg0: i32) -> (i32, i32) {
    %c0_i32 = arith.constant 0 : i32
    %c0_i32_0 = arith.constant 0 : i32
    %c0_i32_1 = arith.constant 0 : i32
    return %c0_i32, %c0_i32_0 : i32, i32
  }
  func.func @transform_2(%arg0: i32) -> i32 {
    %c0_i32 = arith.constant 0 : i32
    return %arg0 : i32
  }
  func.func @transform_3(%arg0: i32) -> (i32, i32) {
    %c0_i32 = arith.constant 0 : i32
    %c0_i32_0 = arith.constant 0 : i32
    %c0_i32_1 = arith.constant 0 : i32
    return %c0_i32, %c0_i32_0 : i32, i32
  }
}

</mosaic_0001>

<sc_bundles>
// kernel: kernel.4.cloned.1.call-start
scs
__scs_entry_jumppad:
0x0: {  	(pc) =	sbr.rel $0x88, $3  }
0x1: {  	(tag) =	ssettag $0x0;
	lr =	simm.s32 $0x1  }
0x2: {  	[smem:$0x3F9F] =	sst lr;
	_ =	strace $0xD0000000  }
0x3: {  	_ = 	snop  }
0x4: {  	_ = 	snop  }
0x5: {  	_ = 	snop  }
0x6: {  	_ = 	snop  }
0x7: {  	_ = 	snop  }
__scs_overlays_trampoline_lowered:
0x8: {  	[smem:$0x3FAE] =	sst s0  }
0x9: {  	[smem:$0x3FAF] =	sst s1  }
0xa: {  	[smem:$0x3FB0] =	sst s2  }
0xb: {  	[smem:$0x3FB1] =	sst s3  }
0xc: {  	[smem:$0x3FB2] =	sst s4  }
0xd: {  	[smem:$0x3FB3] =	sst s5  }
0xe: {  	[smem:$0x3FB4] =	sst s6  }
0xf: {  	[smem:$0x3FB5] =	sst s7  }
0x10: {  	[smem:$0x3FB6] =	sst s8  }
0x11: {  	[smem:$0x3FB7] =	sst s9;
	s0 =	simm.s32 @!p0 $0x0  }
0x12: {  	s1 =	sld [smem:$0x3F9D];
	s0 =	simm.s32 @p0 $0x1  }
0x13: {  	[smem:$0x3FB8] =	sst s0;
	s0 =	simm.s32 @!p1 $0x0  }
0x14: {  	s2 =	sld [smem:$0x3F9C];
	s0 =	simm.s32 @p1 $0x1  }
0x15: {  	[smem:$0x3FB9] =	sst s0;
	s0 =	simm.s32 @!p2 $0x0  }
0x16: {  	s3 =	sld [smem:$0x3FDB];
	s0 =	simm.s32 @p2 $0x1  }
0x17: {  	s4 =	simm.s32 $0x1BF5;
	[smem:$0x3FBB] =	sst s0  }
0x18: {  	s0 =	sld [smem:$0x3F9E];
	_ =	swait.ge [sflag:s4], $0x0  }
0x19: {  	s7 =	sld [smem:$0x3F9F]  }
0x1a: {  	s8 =	sadd.s32 $0xFFFFE003, lr  }
0x1b: {  	s9 =	sadd.s32 $0xFFFFFEF7, lr;
	s5 =	simm.s32 $0xFFFFFFFF;
	p2 =	slt.u32 s8, $0xFFFFF086  }
0x1c: {  	p1 =	slt.u32 s9, $0xF7A;
	s5 =	simm.s32 @!p2 $0x0  }
0x1d: {  	s5 =	simm.s32 @p1 $0x1;
	p0 =	seq.s32 s7, s2  }
0x1e: {  	s7 =	smul.u32 @!p0 $0xF7A, s2;
	p2 =	seq.s32 @!p0 s5, $0x0  }
0x1f: {  	s9 =	smul.u32 $0xF7A, s1;
	s8 =	simm.s32 @!p0 $0x1BF5;
	p2 =	por !p2, p0  }
0x20: {  	[sflag:s8] =	ssyncset.s32 @!p0 $0xFFFFF086;
	s6 =	sadd.s32 @!p0 s3, s7;
	s7 =	simm.s32 @!p0 $0x108  }
0x21: {  	s3 =	sadd.s32 s3, s9;
	s6 =	sadd.s32 @!p0 $0x88, s6;
	s7 =	simm.s32 @p2 $0x1082  }
0x22: {  	[simem:s7], [sflag:s8] =	dma.local @!p0 [hbm:s6], $0xF7A  }
0x23: {  	s9 =	sor.u32 $0xD0000000, s2;
	s6 =	simm.s32 $0x108;
	_ =	swait.ge @!p0 [sflag:s8], $0x0  }
0x24: {  	s3 =	sadd.s32 $0x88, s3;
	s6 =	simm.s32 @!p1 $0x1082;
	[sflag:s4] =	ssyncset.s32 $0xFFFFF086  }
0x25: {  	[simem:s6], [sflag:s4] =	dma.local [hbm:s3], $0xF7A  }
0x26: {  	[smem:$0x3F9F] =	sst s1;
	(tag) =	ssettag s2;
	_ =	strace s9  }
0x27: {  	s1 =	sld [smem:$0x3FAF]  }
0x28: {  	s2 =	sld [smem:$0x3FB0]  }
0x29: {  	s4 =	sld [smem:$0x3FB2]  }
0x2a: {  	p0 =	seq.s32 s5, $0x0;
	s5 =	sld [smem:$0x3FB3]  }
0x2b: {  	s6 =	sld [smem:$0x3FB4]  }
0x2c: {  	s7 =	sld [smem:$0x3FB5]  }
0x2d: {  	s3 =	simm.s32 $0x108;
	s8 =	sld [smem:$0x3FB6]  }
0x2e: {  	s3 =	simm.s32 @!p0 $0x1082;
	s9 =	sld [smem:$0x3FB7]  }
0x2f: {  	lr =	sadd.s32 s0, s3;
	s0 =	sld [smem:$0x3FAE]  }
0x30: {  	s3 =	sld [smem:$0x3FB1]  }
0x31: {  	[smem:$0x3FBA] =	sst s10  }
0x32: {  	s10 =	sld [smem:$0x3FB8];
	_ =	sdelay $0x3  }
0x33: {  	p0 =	seq.s32 s10, $0x1;
	s10 =	sld [smem:$0x3FBA];
	_ =	sdelay $0x3  }
0x34: {  	[smem:$0x3FBA] =	sst s10  }
0x35: {  	s10 =	sld [smem:$0x3FB9];
	_ =	sdelay $0x3  }
0x36: {  	p1 =	seq.s32 s10, $0x1;
	s10 =	sld [smem:$0x3FBA];
	_ =	sdelay $0x3  }
0x37: {  	[smem:$0x3FBA] =	sst s10  }
0x38: {  	s10 =	sld [smem:$0x3FBB]  }
0x39: {  	_ = 	snop;
	(pc) =	sbr.ind lr, $3  }
0x3a: {  	_ = 	snop  }
0x3b: {  	_ = 	snop  }
0x3c: {  	p2 =	seq.s32 s10, $0x1;
	s10 =	sld [smem:$0x3FBA]  }
0x3d: {  	_ =	shalt  }
0x3e: {  	_ =	shalt  }
0x3f: {  	_ =	shalt  }
0x40: {  	_ =	shalt  }
0x41: {  	_ =	shalt  }
0x42: {  	_ =	shalt  }
0x43: {  	_ =	shalt  }
0x44: {  	_ =	shalt  }
0x45: {  	_ =	shalt  }
0x46: {  	_ =	shalt  }
0x47: {  	_ =	shalt  }
0x48: {  	_ =	shalt  }
0x49: {  	_ =	shalt  }
0x4a: {  	_ =	shalt  }
0x4b: {  	_ =	shalt  }
0x4c: {  	_ =	shalt  }
0x4d: {  	_ =	shalt  }
0x4e: {  	_ =	shalt  }
0x4f: {  	_ =	shalt  }
0x50: {  	_ =	shalt  }
0x51: {  	_ =	shalt  }
0x52: {  	_ =	shalt  }
0x53: {  	_ =	shalt  }
0x54: {  	_ =	shalt  }
0x55: {  	_ =	shalt  }
0x56: {  	_ =	shalt  }
0x57: {  	_ =	shalt  }
0x58: {  	_ =	shalt  }
0x59: {  	_ =	shalt  }
0x5a: {  	_ =	shalt  }
0x5b: {  	_ =	shalt  }
0x5c: {  	_ =	shalt  }
0x5d: {  	_ =	shalt  }
0x5e: {  	_ =	shalt  }
0x5f: {  	_ =	shalt  }
0x60: {  	_ =	shalt  }
0x61: {  	_ =	shalt  }
0x62: {  	_ =	shalt  }
0x63: {  	_ =	shalt  }
0x64: {  	_ =	shalt  }
0x65: {  	_ =	shalt  }
0x66: {  	_ =	shalt  }
0x67: {  	_ =	shalt  }
0x68: {  	_ =	shalt  }
0x69: {  	_ =	shalt  }
0x6a: {  	_ =	shalt  }
0x6b: {  	_ =	shalt  }
0x6c: {  	_ =	shalt  }
0x6d: {  	_ =	shalt  }
0x6e: {  	_ =	shalt  }
0x6f: {  	_ =	shalt  }
0x70: {  	_ =	shalt  }
0x71: {  	_ =	shalt  }
0x72: {  	_ =	shalt  }
0x73: {  	_ =	shalt  }
0x74: {  	_ =	shalt  }
0x75: {  	_ =	shalt  }
0x76: {  	_ =	shalt  }
0x77: {  	_ =	shalt  }
0x78: {  	_ =	shalt  }
0x79: {  	_ =	shalt  }
0x7a: {  	_ =	shalt  }
0x7b: {  	_ =	shalt  }
0x7c: {  	_ =	shalt  }
0x7d: {  	_ =	shalt  }
0x7e: {  	_ =	shalt  }
0x7f: {  	_ =	shalt  }
0x80: {  	_ =	shalt  }
0x81: {  	_ =	shalt  }
0x82: {  	_ =	shalt  }
0x83: {  	_ =	shalt  }
0x84: {  	_ =	shalt  }
0x85: {  	_ =	shalt  }
0x86: {  	_ =	shalt  }
0x87: {  	_ =	shalt  }
.Lfunc_end0:
.L_simem_size_0:
called_computation_lowered:
.L_overlay_start_0:
0x88: {  	s2 =	sld [smem:$0x3FD9]  }
0x89: {  	s3 =	sld [smem:$0x3FFE];
	_ =	sdelay $0x1  }
0x8a: {  	s1 =	srdreg.scid  }
0x8b: {  	s0 =	sand.u32 $0x1, s1  }
0x8c: {  	s15 =	sshll.u32 s0, $0xA;
	s2 =	sadd.s32 s3, s2  }
0x8d: {  	s2 =	sadd.s32 s2, s15  }
0x8e: {  	[smem:$0x3FC6] =	sst s2  }
0x8f: {  	_ = 	snop  }
0x90: {  	s2 =	sld [smem:$0x3FD0];
	_ =	sdelay $0x2  }
0x91: {  	s4 =	simm.s32 $0xA;
	s5 =	simm.s32 $0x10;
	s16 =	sld [smem:$0x3FC8]  }
0x92: {  	[smem:s5], [sflag:s4] =	dma.local [hbm:s2], $0x1  }
0x93: {  	_ =	swait.eq [sflag:s4], $0x1  }
0x94: {  	[sflag:s4] =	ssyncset.done $0x0  }
0x95: {  	s17 =	sld [smem:$0x10];
	[sflag:s4] =	ssyncadd.s32 $0xFFFFFFFF  }
0x96: {  	s18 =	sld [smem:$0x11];
	(tm) =	ssettm $0x1  }
0x97: {  	s19 =	sld [smem:$0x3FFB];
	_ =	sdelay $0x3  }
0x98: {  	_ =	strace s19  }
0x99: {  	s5 =	sld [smem:$0x3FFC];
	_ =	sdelay $0x3  }
0x9a: {  	_ =	strace s5  }
0x9b: {  	s5 =	sld [smem:$0x3FFD];
	_ =	sdelay $0x3  }
0x9c: {  	_ =	strace s5  }
0x9d: {  	_ =	strace $0x8FFFFFFF  }
0x9e: {  	s20 =	sld [smem:$0x3FDB];
	_ =	sdelay $0x1  }
0x9f: {  	s6 =	simm.s32 $_scs_section_size  }
0xa0: {  	s7 =	simm.s32 $_size__tile_overlayer_lowered;
	s8 =	simm.s32 $_tile_overlayer_lowered  }
0xa1: {  	s23 =	simm.s32 $0x1BFF;
	s22 =	sshll.u32 s8, $0x1;
	s5 =	sadd.s32 s6, s20  }
0xa2: {  	s9 =	simm.s32 $0x0;
	s21 =	sshll.u32 s7, $0x1;
	s7 =	sadd.s32 s22, s5  }
0xa3: {  	[timem:s9], [sflag:s23] =	dma.local [hbm:s7], s21  }
0xa4: {  	_ =	swait.ge [sflag:s23], s21  }
0xa5: {  	s6 =	ssub.s32 $0x0, s21;
	[sflag:s23] =	ssyncset.done $0x0  }
0xa6: {  	[sflag:s23] =	ssyncadd.s32 s6;
	_ =	sdelay $0x1  }
0xa7: {  	s24 =	simm.s32 $0x1B8B  }
0xa8: {  	_ =	swait.ge [sflag:s24], $0x1  }
0xa9: {  	[sflag:s24] =	ssyncset.done $0x0  }
0xaa: {  	s25 =	simm.s32 $0x1B8E;
	[sflag:s24] =	ssyncadd.s32 $0xFFFFFFFF  }
0xab: {  	s26 =	simm.s32 $execute0_lowered;
	[smem:$0x3FD2] =	sst s25  }
0xac: {  	s6 =	sshll.u32 s26, $0x1;
	_ =	strace $0x80000046;
	[dreg:$0x1] =	wrdreg $0xFFFFFFFF  }
0xad: {  	s28 =	simm.s32 $_size_execute0_lowered;
	s5 =	sadd.s32 s5, s6;
	[dreg:$0x0] =	wrdreg $0x0  }
0xae: {  	s6 =	sshll.u32 s28, $0x1;
	[dreg:$0x2] =	wrdreg s5  }
0xaf: {  	[dreg:$0x3] =	wrdreg s6  }
0xb0: {  	[dreg:$0x4] =	wrdreg $0xC0  }
0xb1: {  	_ =	task [dreg:s9], $0x5FFFF  }
0xb2: {  	[dreg:$0x1] =	wrdreg $0xFFFFFFFF  }
0xb3: {  	[dreg:$0x0] =	wrdreg $0x60  }
0xb4: {  	[dreg:$0x2] =	wrdreg s16  }
0xb5: {  	[dreg:$0x3] =	wrdreg s17  }
0xb6: {  	[dreg:$0x4] =	wrdreg s18  }
0xb7: {  	[dreg:$0x5] =	wrdreg $0x9  }
0xb8: {  	_ =	task.clear_ibuf [dreg:s9], $0x6FFFF;
	_ =	strace $0x90000046  }
0xb9: {  	s29 =	simm.s32 $0x9;
	_ =	strace $0x80000048  }
0xba: {  	_ =	swait.ge [sflag:s29], $0x1  }
0xbb: {  	[sflag:s29] =	ssyncadd.s32 $0xFFFFFFFF  }
0xbc: {  	_ =	strace $0x90000048  }
0xbd: {  	_ =	sfence  }
0xbe: {  	s30 =	sld [smem:$0x0];
	_ =	sdelay $0x2  }
0xbf: {  	s31 =	sshll.u32 s1, $0xD;
	s1 =	sshrl.u32 s1, $0x2  }
0xc0: {  	s3 =	sand.u32 $0x4000, s31;
	s1 =	sadd.s32 s1, s30  }
0xc1: {  	s0 =	sor.u32 s3, s0;
	s1 =	sshll.u32 s1, $0x11  }
0xc2: {  	s0 =	sor.u32 s1, s0  }
0xc3: {  	s0 =	sadd.s32 $0x8F2B, s0  }
0xc4: {  	[sflag:s0] =	ssyncadd.remote.s32 $0x1  }
0xc5: {  	_ =	sfence.sel $0xFFFF  }
0xc6: {  	[dreg:$0x0] =	wrdreg $0xFFFFFFFF;
	(pc) =	sbr.abs _section_cstart, $3  }
0xc7: {  	[dreg:$0x1] =	wrdreg $0xFFFFFFFF  }
0xc8: {  	_ =	task.clear_ibuf [dreg:s9], $0x2FFFF;
	_ =	strace $0x9FFFFFFF  }
0xc9: {  	(tm) =	ssettm $0x7FFFFFFF  }
tec
execute0_lowered:
.L_overlay_start_1:
0x0: {  	(tag) =	ssettag $0x1  }
0x1: {  	s1 =	rddreg [dreg:$0x0]  }
0x2: {  	s10 =	rddreg [dreg:$0x1]  }
0x3: {  	s11 =	rddreg [dreg:$0x2]  }
0x4: {  	s0 =	rddreg [dreg:$0x3];
	s3 =	simm.s32 $0x0;
	s4 =	srdreg.scid  }
0x5: {  	s2 =	stileid.u32;
	s15 =	simm.s32 $0x880;
	s16 =	simm.s32 $0x1080  }
0x6: {  	s17 =	simm.s32 $0x1880;
	s18 =	simm.s32 $0x2080;
	s19 =	simm.s32 $0x2880  }
0x7: {  	s20 =	simm.s32 $0x3080;
	s21 =	simm.s32 $0x3880;
	s22 =	simm.s32 $0x4080  }
0x8: {  	s28 =	simm.s32 $0x6880;
	s29 =	simm.s32 $0x7080;
	s30 =	simm.s32 $0x7880  }
0x9: {  	s31 =	simm.s32 $0x1;
	[smem:$0x7FF] =	sst s3;
	s4 =	sand.u32 $0x1, s4  }
0xa: {  	s6 =	sshll.u32 s2, $0xA;
	s5 =	ssub.s32 $0x2, s4;
	s4 =	sshll.u32 s4, $0x9  }
0xb: {  	_ =	strace $0x80000047;
	s7 =	sshrl.u32 s5, $0x1;
	s9 =	sor.u32 s4, s6  }
0xc: {  	s12 =	ssub.s32 s5, s7;
	s4 =	sshrl.u32 s9, $0x3;
	s23 =	sshll.u32 s9, $0x5  }
0xd: {  	s6 =	sor.u32 $0x80, s9;
	s13 =	sor.u32 $0x100, s9;
	s14 =	sor.u32 $0x180, s9  }
0xe: {  	s4 =	sadd.s32 s10, s4;
	s5 =	sadd.s32 s11, s23;
	s24 =	sshrl.u32 s6, $0x3  }
0xf: {  	s8 =	sshll.u32 s6, $0x5;
	s25 =	sshrl.u32 s13, $0x3;
	s13 =	sshll.u32 s13, $0x5  }
0x10: {  	s26 =	sshrl.u32 s14, $0x3;
	s14 =	sshll.u32 s14, $0x5;
	s12 =	smax.u32 s12, $0x1  }
0x11: {  	s23 =	simm.s32 $0x4880;
	s6 =	sadd.s32 s10, s24;
	s7 =	sadd.s32 s11, s8  }
0x12: {  	v2 =	vlaneseq.u32;
	s8 =	sadd.s32 s10, s25;
	s9 =	sadd.s32 s11, s13;
	s10 =	sadd.s32 s10, s26  }
0x13: {  	vm0 =	vmmov $0xffff;
	v1 =	vshrl.u32 v2, $0x3;
	s11 =	sadd.s32 s11, s14;
	s13 =	simm.s32 $0x2;
	s14 =	simm.s32 $0x80  }
0x14: {  	v0 =	vand.u32 $0x7, v2;
	v2 =	vor.u32 $0x8, v2;
	v1 =	vmul.u32 $0x8, v1;
	s24 =	simm.s32 $0x5080;
	s25 =	simm.s32 $0x5880;
	s26 =	simm.s32 $0x6080  }
.LBB2_1:
0x15: {  	[tilespmem:s3], [sflag:$0x2] =	stream.linear.gather [hbm4b:s4+s3], $0x80, $0x38;
	[tilespmem:$0x8080] =	vst v63  }
0x16: {  	_ =	swait.ge [sflag:s13], $0x80  }
0x17: {  	[sflag:s13] =	ssyncset.done $0x0  }
0x18: {  	[sflag:s13] =	ssyncadd.s32 $0xFFFFFF80  }
0x19: {  	v3 =	vld [tilespmem:$0x0];
	_ =	sdelay $0x4  }
0x1a: {  	v4 =	vshll.u32 v3, $0x1  }
0x1b: {  	v3 =	vand.u32 $0x7, v3;
	v4 =	vand.u32 $0xFFFFFFF0, v4  }
0x1c: {  	v3 =	vor.u32 v3, v4  }
0x1d: {  	v4 =	vperm.xlane v3, v0;
	_ =	sdelay $0x1  }
0x1e: {  	v3 =	vperm.xlane v3, v2;
	v4 =	vadd.s32 v1, v4;
	_ =	sdelay $0x1  }
0x1f: {  	v3 =	vadd.s32 v1, v3;
	_ =	sdelay $0x2  }
0x20: {  	[tilespmem:s14], [sflag:$0x1] =	stream.indirect_vreg.gather [hbm4b:s1+s3], $0x80, v4, vm0, $0xb8;
	[tilespmem:$0x8080] =	vst v63  }
0x21: {  	_ = 	snop  }
0x22: {  	[tilespmem:s15], [sflag:$0x1] =	stream.indirect_vreg.gather [hbm4b:s1+s3], $0x80, v3, vm0, $0xb8;
	[tilespmem:$0x8080] =	vst v63  }
0x23: {  	v3 =	vld [tilespmem:$0x10];
	_ =	sdelay $0x4  }
0x24: {  	v33 =	vshll.u32 v3, $0x1  }
0x25: {  	v3 =	vand.u32 $0x7, v3;
	v4 =	vand.u32 $0xFFFFFFF0, v33  }
0x26: {  	v3 =	vor.u32 v3, v4  }
0x27: {  	v4 =	vperm.xlane v3, v0;
	_ =	sdelay $0x1  }
0x28: {  	v3 =	vperm.xlane v3, v2;
	v4 =	vadd.s32 v1, v4;
	_ =	sdelay $0x1  }
0x29: {  	v3 =	vadd.s32 v1, v3;
	_ =	sdelay $0x2  }
0x2a: {  	[tilespmem:s16], [sflag:$0x1] =	stream.indirect_vreg.gather [hbm4b:s1+s3], $0x80, v4, vm0, $0xb8;
	[tilespmem:$0x8080] =	vst v63  }
0x2b: {  	_ = 	snop  }
0x2c: {  	[tilespmem:s17], [sflag:$0x1] =	stream.indirect_vreg.gather [hbm4b:s1+s3], $0x80, v3, vm0, $0xb8;
	[tilespmem:$0x8080] =	vst v63  }
0x2d: {  	v3 =	vld [tilespmem:$0x20];
	_ =	sdelay $0x4  }
0x2e: {  	v34 =	vshll.u32 v3, $0x1  }
0x2f: {  	v3 =	vand.u32 $0x7, v3;
	v4 =	vand.u32 $0xFFFFFFF0, v34  }
0x30: {  	v3 =	vor.u32 v3, v4  }
0x31: {  	v4 =	vperm.xlane v3, v0;
	_ =	sdelay $0x1  }
0x32: {  	v3 =	vperm.xlane v3, v2;
	v4 =	vadd.s32 v1, v4;
	_ =	sdelay $0x1  }
0x33: {  	v3 =	vadd.s32 v1, v3;
	_ =	sdelay $0x2  }
0x34: {  	[tilespmem:s18], [sflag:$0x1] =	stream.indirect_vreg.gather [hbm4b:s1+s3], $0x80, v4, vm0, $0xb8;
	[tilespmem:$0x8080] =	vst v63  }
0x35: {  	_ = 	snop  }
0x36: {  	[tilespmem:s19], [sflag:$0x1] =	stream.indirect_vreg.gather [hbm4b:s1+s3], $0x80, v3, vm0, $0xb8;
	[tilespmem:$0x8080] =	vst v63  }
0x37: {  	v3 =	vld [tilespmem:$0x30];
	_ =	sdelay $0x4  }
0x38: {  	v35 =	vshll.u32 v3, $0x1  }
0x39: {  	v3 =	vand.u32 $0x7, v3;
	v4 =	vand.u32 $0xFFFFFFF0, v35  }
0x3a: {  	v3 =	vor.u32 v3, v4  }
0x3b: {  	v4 =	vperm.xlane v3, v0;
	_ =	sdelay $0x1  }
0x3c: {  	v3 =	vperm.xlane v3, v2;
	v4 =	vadd.s32 v1, v4;
	_ =	sdelay $0x1  }
0x3d: {  	v3 =	vadd.s32 v1, v3;
	_ =	sdelay $0x2  }
0x3e: {  	[tilespmem:s20], [sflag:$0x1] =	stream.indirect_vreg.gather [hbm4b:s1+s3], $0x80, v4, vm0, $0xb8;
	[tilespmem:$0x8080] =	vst v63  }
0x3f: {  	_ = 	snop  }
0x40: {  	[tilespmem:s21], [sflag:$0x1] =	stream.indirect_vreg.gather [hbm4b:s1+s3], $0x80, v3, vm0, $0xb8;
	[tilespmem:$0x8080] =	vst v63  }
0x41: {  	v3 =	vld [tilespmem:$0x40];
	_ =	sdelay $0x4  }
0x42: {  	v36 =	vshll.u32 v3, $0x1  }
0x43: {  	v3 =	vand.u32 $0x7, v3;
	v4 =	vand.u32 $0xFFFFFFF0, v36  }
0x44: {  	v3 =	vor.u32 v3, v4  }
0x45: {  	v4 =	vperm.xlane v3, v0;
	_ =	sdelay $0x1  }
0x46: {  	v3 =	vperm.xlane v3, v2;
	v4 =	vadd.s32 v1, v4;
	_ =	sdelay $0x1  }
0x47: {  	v3 =	vadd.s32 v1, v3;
	_ =	sdelay $0x2  }
0x48: {  	[tilespmem:s22], [sflag:$0x1] =	stream.indirect_vreg.gather [hbm4b:s1+s3], $0x80, v4, vm0, $0xb8;
	[tilespmem:$0x8080] =	vst v63  }
0x49: {  	_ = 	snop  }
0x4a: {  	[tilespmem:s23], [sflag:$0x1] =	stream.indirect_vreg.gather [hbm4b:s1+s3], $0x80, v3, vm0, $0xb8;
	[tilespmem:$0x8080] =	vst v63  }
0x4b: {  	v3 =	vld [tilespmem:$0x50];
	_ =	sdelay $0x4  }
0x4c: {  	v37 =	vshll.u32 v3, $0x1  }
0x4d: {  	v3 =	vand.u32 $0x7, v3;
	v4 =	vand.u32 $0xFFFFFFF0, v37  }
0x4e: {  	v3 =	vor.u32 v3, v4  }
0x4f: {  	v4 =	vperm.xlane v3, v0;
	_ =	sdelay $0x1  }
0x50: {  	v3 =	vperm.xlane v3, v2;
	v4 =	vadd.s32 v1, v4;
	_ =	sdelay $0x1  }
0x51: {  	v3 =	vadd.s32 v1, v3;
	_ =	sdelay $0x2  }
0x52: {  	[tilespmem:s24], [sflag:$0x1] =	stream.indirect_vreg.gather [hbm4b:s1+s3], $0x80, v4, vm0, $0xb8;
	[tilespmem:$0x8080] =	vst v63  }
0x53: {  	_ = 	snop  }
0x54: {  	[tilespmem:s25], [sflag:$0x1] =	stream.indirect_vreg.gather [hbm4b:s1+s3], $0x80, v3, vm0, $0xb8;
	[tilespmem:$0x8080] =	vst v63  }
0x55: {  	v3 =	vld [tilespmem:$0x60];
	_ =	sdelay $0x4  }
0x56: {  	v38 =	vshll.u32 v3, $0x1  }
0x57: {  	v3 =	vand.u32 $0x7, v3;
	v4 =	vand.u32 $0xFFFFFFF0, v38  }
0x58: {  	v3 =	vor.u32 v3, v4  }
0x59: {  	v4 =	vperm.xlane v3, v0;
	_ =	sdelay $0x1  }
0x5a: {  	v3 =	vperm.xlane v3, v2;
	v4 =	vadd.s32 v1, v4;
	_ =	sdelay $0x1  }
0x5b: {  	v3 =	vadd.s32 v1, v3;
	_ =	sdelay $0x2  }
0x5c: {  	[tilespmem:s26], [sflag:$0x1] =	stream.indirect_vreg.gather [hbm4b:s1+s3], $0x80, v4, vm0, $0xb8;
	[tilespmem:$0x8080] =	vst v63  }
0x5d: {  	_ = 	snop  }
0x5e: {  	[tilespmem:s28], [sflag:$0x1] =	stream.indirect_vreg.gather [hbm4b:s1+s3], $0x80, v3, vm0, $0xb8;
	[tilespmem:$0x8080] =	vst v63  }
0x5f: {  	v3 =	vld [tilespmem:$0x70];
	_ =	sdelay $0x4  }
0x60: {  	v39 =	vshll.u32 v3, $0x1  }
0x61: {  	v3 =	vand.u32 $0x7, v3;
	v4 =	vand.u32 $0xFFFFFFF0, v39  }
0x62: {  	v3 =	vor.u32 v3, v4  }
0x63: {  	v4 =	vperm.xlane v3, v0;
	_ =	sdelay $0x1  }
0x64: {  	v3 =	vperm.xlane v3, v2;
	v4 =	vadd.s32 v1, v4;
	_ =	sdelay $0x1  }
0x65: {  	v3 =	vadd.s32 v1, v3;
	_ =	sdelay $0x2  }
0x66: {  	[tilespmem:s29], [sflag:$0x1] =	stream.indirect_vreg.gather [hbm4b:s1+s3], $0x80, v4, vm0, $0xb8;
	[tilespmem:$0x8080] =	vst v63  }
0x67: {  	_ = 	snop  }
0x68: {  	[tilespmem:s30], [sflag:$0x1] =	stream.indirect_vreg.gather [hbm4b:s1+s3], $0x80, v3, vm0, $0xb8;
	[tilespmem:$0x8080] =	vst v63  }
0x69: {  	_ =	swait.ge [sflag:s31], $0x8000  }
0x6a: {  	[sflag:s31] =	ssyncset.done $0x0  }
0x6b: {  	[sflag:s31] =	ssyncadd.s32 $0xFFFF8000  }
0x6c: {  	[hbm4b:s5+s3] =	stream.linear.scatter [tilespmem:s14], [sflag:$0x2], $0x8000, $0x38;
	[tilespmem:$0x8080] =	vst v63  }
0x6d: {  	_ =	swait.ge [sflag:s13], $0x8000  }
0x6e: {  	[sflag:s13] =	ssyncset.done $0x0  }
0x6f: {  	[sflag:s13] =	ssyncadd.s32 $0xFFFF8000  }
0x70: {  	[tilespmem:s3], [sflag:$0x2] =	stream.linear.gather [hbm4b:s6+s3], $0x80, $0x38;
	[tilespmem:$0x8080] =	vst v63  }
0x71: {  	_ =	swait.ge [sflag:s13], $0x80  }
0x72: {  	[sflag:s13] =	ssyncset.done $0x0  }
0x73: {  	[sflag:s13] =	ssyncadd.s32 $0xFFFFFF80  }
0x74: {  	v3 =	vld [tilespmem:$0x0];
	_ =	sdelay $0x4  }
0x75: {  	v40 =	vshll.u32 v3, $0x1  }
0x76: {  	v3 =	vand.u32 $0x7, v3;
	v4 =	vand.u32 $0xFFFFFFF0, v40  }
0x77: {  	v3 =	vor.u32 v3, v4  }
0x78: {  	v4 =	vperm.xlane v3, v0;
	_ =	sdelay $0x1  }
0x79: {  	v3 =	vperm.xlane v3, v2;
	v4 =	vadd.s32 v1, v4;
	_ =	sdelay $0x1  }
0x7a: {  	v3 =	vadd.s32 v1, v3;
	_ =	sdelay $0x2  }
0x7b: {  	[tilespmem:s14], [sflag:$0x1] =	stream.indirect_vreg.gather [hbm4b:s1+s3], $0x80, v4, vm0, $0xb8;
	[tilespmem:$0x8080] =	vst v63  }
0x7c: {  	_ = 	snop  }
0x7d: {  	[tilespmem:s15], [sflag:$0x1] =	stream.indirect_vreg.gather [hbm4b:s1+s3], $0x80, v3, vm0, $0xb8;
	[tilespmem:$0x8080] =	vst v63  }
0x7e: {  	v3 =	vld [tilespmem:$0x10];
	_ =	sdelay $0x4  }
0x7f: {  	v41 =	vshll.u32 v3, $0x1  }
0x80: {  	v3 =	vand.u32 $0x7, v3;
	v4 =	vand.u32 $0xFFFFFFF0, v41  }
0x81: {  	v3 =	vor.u32 v3, v4  }
0x82: {  	v4 =	vperm.xlane v3, v0;
	_ =	sdelay $0x1  }
0x83: {  	v3 =	vperm.xlane v3, v2;
	v4 =	vadd.s32 v1, v4;
	_ =	sdelay $0x1  }
0x84: {  	v3 =	vadd.s32 v1, v3;
	_ =	sdelay $0x2  }
0x85: {  	[tilespmem:s16], [sflag:$0x1] =	stream.indirect_vreg.gather [hbm4b:s1+s3], $0x80, v4, vm0, $0xb8;
	[tilespmem:$0x8080] =	vst v63  }
0x86: {  	_ = 	snop  }
0x87: {  	[tilespmem:s17], [sflag:$0x1] =	stream.indirect_vreg.gather [hbm4b:s1+s3], $0x80, v3, vm0, $0xb8;
	[tilespmem:$0x8080] =	vst v63  }
0x88: {  	v3 =	vld [tilespmem:$0x20];
	_ =	sdelay $0x4  }
0x89: {  	v42 =	vshll.u32 v3, $0x1  }
0x8a: {  	v3 =	vand.u32 $0x7, v3;
	v4 =	vand.u32 $0xFFFFFFF0, v42  }
0x8b: {  	v3 =	vor.u32 v3, v4  }
0x8c: {  	v4 =	vperm.xlane v3, v0;
	_ =	sdelay $0x1  }
0x8d: {  	v3 =	vperm.xlane v3, v2;
	v4 =	vadd.s32 v1, v4;
	_ =	sdelay $0x1  }
0x8e: {  	v3 =	vadd.s32 v1, v3;
	_ =	sdelay $0x2  }
0x8f: {  	[tilespmem:s18], [sflag:$0x1] =	stream.indirect_vreg.gather [hbm4b:s1+s3], $0x80, v4, vm0, $0xb8;
	[tilespmem:$0x8080] =	vst v63  }
0x90: {  	_ = 	snop  }
0x91: {  	[tilespmem:s19], [sflag:$0x1] =	stream.indirect_vreg.gather [hbm4b:s1+s3], $0x80, v3, vm0, $0xb8;
	[tilespmem:$0x8080] =	vst v63  }
0x92: {  	v3 =	vld [tilespmem:$0x30];
	_ =	sdelay $0x4  }
0x93: {  	v43 =	vshll.u32 v3, $0x1  }
0x94: {  	v3 =	vand.u32 $0x7, v3;
	v4 =	vand.u32 $0xFFFFFFF0, v43  }
0x95: {  	v3 =	vor.u32 v3, v4  }
0x96: {  	v4 =	vperm.xlane v3, v0;
	_ =	sdelay $0x1  }
0x97: {  	v3 =	vperm.xlane v3, v2;
	v4 =	vadd.s32 v1, v4;
	_ =	sdelay $0x1  }
0x98: {  	v3 =	vadd.s32 v1, v3;
	_ =	sdelay $0x2  }
0x99: {  	[tilespmem:s20], [sflag:$0x1] =	stream.indirect_vreg.gather [hbm4b:s1+s3], $0x80, v4, vm0, $0xb8;
	[tilespmem:$0x8080] =	vst v63  }
0x9a: {  	_ = 	snop  }
0x9b: {  	[tilespmem:s21], [sflag:$0x1] =	stream.indirect_vreg.gather [hbm4b:s1+s3], $0x80, v3, vm0, $0xb8;
	[tilespmem:$0x8080] =	vst v63  }
0x9c: {  	v3 =	vld [tilespmem:$0x40];
	_ =	sdelay $0x4  }
0x9d: {  	v44 =	vshll.u32 v3, $0x1  }
0x9e: {  	v3 =	vand.u32 $0x7, v3;
	v4 =	vand.u32 $0xFFFFFFF0, v44  }
0x9f: {  	v3 =	vor.u32 v3, v4  }
0xa0: {  	v4 =	vperm.xlane v3, v0;
	_ =	sdelay $0x1  }
0xa1: {  	v3 =	vperm.xlane v3, v2;
	v4 =	vadd.s32 v1, v4;
	_ =	sdelay $0x1  }
0xa2: {  	v3 =	vadd.s32 v1, v3;
	_ =	sdelay $0x2  }
0xa3: {  	[tilespmem:s22], [sflag:$0x1] =	stream.indirect_vreg.gather [hbm4b:s1+s3], $0x80, v4, vm0, $0xb8;
	[tilespmem:$0x8080] =	vst v63  }
0xa4: {  	_ = 	snop  }
0xa5: {  	[tilespmem:s23], [sflag:$0x1] =	stream.indirect_vreg.gather [hbm4b:s1+s3], $0x80, v3, vm0, $0xb8;
	[tilespmem:$0x8080] =	vst v63  }
0xa6: {  	v3 =	vld [tilespmem:$0x50];
	_ =	sdelay $0x4  }
0xa7: {  	v45 =	vshll.u32 v3, $0x1  }
0xa8: {  	v3 =	vand.u32 $0x7, v3;
	v4 =	vand.u32 $0xFFFFFFF0, v45  }
0xa9: {  	v3 =	vor.u32 v3, v4  }
0xaa: {  	v4 =	vperm.xlane v3, v0;
	_ =	sdelay $0x1  }
0xab: {  	v3 =	vperm.xlane v3, v2;
	v4 =	vadd.s32 v1, v4;
	_ =	sdelay $0x1  }
0xac: {  	v3 =	vadd.s32 v1, v3;
	_ =	sdelay $0x2  }
0xad: {  	[tilespmem:s24], [sflag:$0x1] =	stream.indirect_vreg.gather [hbm4b:s1+s3], $0x80, v4, vm0, $0xb8;
	[tilespmem:$0x8080] =	vst v63  }
0xae: {  	_ = 	snop  }
0xaf: {  	[tilespmem:s25], [sflag:$0x1] =	stream.indirect_vreg.gather [hbm4b:s1+s3], $0x80, v3, vm0, $0xb8;
	[tilespmem:$0x8080] =	vst v63  }
0xb0: {  	v3 =	vld [tilespmem:$0x60];
	_ =	sdelay $0x4  }
0xb1: {  	v46 =	vshll.u32 v3, $0x1  }
0xb2: {  	v3 =	vand.u32 $0x7, v3;
	v4 =	vand.u32 $0xFFFFFFF0, v46  }
0xb3: {  	v3 =	vor.u32 v3, v4  }
0xb4: {  	v4 =	vperm.xlane v3, v0;
	_ =	sdelay $0x1  }
0xb5: {  	v3 =	vperm.xlane v3, v2;
	v4 =	vadd.s32 v1, v4;
	_ =	sdelay $0x1  }
0xb6: {  	v3 =	vadd.s32 v1, v3;
	_ =	sdelay $0x2  }
0xb7: {  	[tilespmem:s26], [sflag:$0x1] =	stream.indirect_vreg.gather [hbm4b:s1+s3], $0x80, v4, vm0, $0xb8;
	[tilespmem:$0x8080] =	vst v63  }
0xb8: {  	_ = 	snop  }
0xb9: {  	[tilespmem:s28], [sflag:$0x1] =	stream.indirect_vreg.gather [hbm4b:s1+s3], $0x80, v3, vm0, $0xb8;
	[tilespmem:$0x8080] =	vst v63  }
0xba: {  	v3 =	vld [tilespmem:$0x70];
	_ =	sdelay $0x4  }
0xbb: {  	v47 =	vshll.u32 v3, $0x1  }
0xbc: {  	v3 =	vand.u32 $0x7, v3;
	v4 =	vand.u32 $0xFFFFFFF0, v47  }
0xbd: {  	v3 =	vor.u32 v3, v4  }
0xbe: {  	v4 =	vperm.xlane v3, v0;
	_ =	sdelay $0x1  }
0xbf: {  	v3 =	vperm.xlane v3, v2;
	v4 =	vadd.s32 v1, v4;
	_ =	sdelay $0x1  }
0xc0: {  	v3 =	vadd.s32 v1, v3;
	_ =	sdelay $0x2  }
0xc1: {  	[tilespmem:s29], [sflag:$0x1] =	stream.indirect_vreg.gather [hbm4b:s1+s3], $0x80, v4, vm0, $0xb8;
	[tilespmem:$0x8080] =	vst v63  }
0xc2: {  	_ = 	snop  }
0xc3: {  	[tilespmem:s30], [sflag:$0x1] =	stream.indirect_vreg.gather [hbm4b:s1+s3], $0x80, v3, vm0, $0xb8;
	[tilespmem:$0x8080] =	vst v63  }
0xc4: {  	_ =	swait.ge [sflag:s31], $0x8000  }
0xc5: {  	[sflag:s31] =	ssyncset.done $0x0  }
0xc6: {  	[sflag:s31] =	ssyncadd.s32 $0xFFFF8000  }
0xc7: {  	[hbm4b:s7+s3] =	stream.linear.scatter [tilespmem:s14], [sflag:$0x2], $0x8000, $0x38;
	[tilespmem:$0x8080] =	vst v63  }
0xc8: {  	_ =	swait.ge [sflag:s13], $0x8000  }
0xc9: {  	[sflag:s13] =	ssyncset.done $0x0  }
0xca: {  	[sflag:s13] =	ssyncadd.s32 $0xFFFF8000  }
0xcb: {  	[tilespmem:s3], [sflag:$0x2] =	stream.linear.gather [hbm4b:s8+s3], $0x80, $0x38;
	[tilespmem:$0x8080] =	vst v63  }
0xcc: {  	_ =	swait.ge [sflag:s13], $0x80  }
0xcd: {  	[sflag:s13] =	ssyncset.done $0x0  }
0xce: {  	[sflag:s13] =	ssyncadd.s32 $0xFFFFFF80  }
0xcf: {  	v3 =	vld [tilespmem:$0x0];
	_ =	sdelay $0x4  }
0xd0: {  	v48 =	vshll.u32 v3, $0x1  }
0xd1: {  	v3 =	vand.u32 $0x7, v3;
	v4 =	vand.u32 $0xFFFFFFF0, v48  }
0xd2: {  	v3 =	vor.u32 v3, v4  }
0xd3: {  	v4 =	vperm.xlane v3, v0;
	_ =	sdelay $0x1  }
0xd4: {  	v3 =	vperm.xlane v3, v2;
	v4 =	vadd.s32 v1, v4;
	_ =	sdelay $0x1  }
0xd5: {  	v3 =	vadd.s32 v1, v3;
	_ =	sdelay $0x2  }
0xd6: {  	[tilespmem:s14], [sflag:$0x1] =	stream.indirect_vreg.gather [hbm4b:s1+s3], $0x80, v4, vm0, $0xb8;
	[tilespmem:$0x8080] =	vst v63  }
0xd7: {  	_ = 	snop  }
0xd8: {  	[tilespmem:s15], [sflag:$0x1] =	stream.indirect_vreg.gather [hbm4b:s1+s3], $0x80, v3, vm0, $0xb8;
	[tilespmem:$0x8080] =	vst v63  }
0xd9: {  	v3 =	vld [tilespmem:$0x10];
	_ =	sdelay $0x4  }
0xda: {  	v49 =	vshll.u32 v3, $0x1  }
0xdb: {  	v3 =	vand.u32 $0x7, v3;
	v4 =	vand.u32 $0xFFFFFFF0, v49  }
0xdc: {  	v3 =	vor.u32 v3, v4  }
0xdd: {  	v4 =	vperm.xlane v3, v0;
	_ =	sdelay $0x1  }
0xde: {  	v3 =	vperm.xlane v3, v2;
	v4 =	vadd.s32 v1, v4;
	_ =	sdelay $0x1  }
0xdf: {  	v3 =	vadd.s32 v1, v3;
	_ =	sdelay $0x2  }
0xe0: {  	[tilespmem:s16], [sflag:$0x1] =	stream.indirect_vreg.gather [hbm4b:s1+s3], $0x80, v4, vm0, $0xb8;
	[tilespmem:$0x8080] =	vst v63  }
0xe1: {  	_ = 	snop  }
0xe2: {  	[tilespmem:s17], [sflag:$0x1] =	stream.indirect_vreg.gather [hbm4b:s1+s3], $0x80, v3, vm0, $0xb8;
	[tilespmem:$0x8080] =	vst v63  }
0xe3: {  	v3 =	vld [tilespmem:$0x20];
	_ =	sdelay $0x4  }
0xe4: {  	v50 =	vshll.u32 v3, $0x1  }
0xe5: {  	v3 =	vand.u32 $0x7, v3;
	v4 =	vand.u32 $0xFFFFFFF0, v50  }
0xe6: {  	v3 =	vor.u32 v3, v4  }
0xe7: {  	v4 =	vperm.xlane v3, v0;
	_ =	sdelay $0x1  }
0xe8: {  	v3 =	vperm.xlane v3, v2;
	v4 =	vadd.s32 v1, v4;
	_ =	sdelay $0x1  }
0xe9: {  	v3 =	vadd.s32 v1, v3;
	_ =	sdelay $0x2  }
0xea: {  	[tilespmem:s18], [sflag:$0x1] =	stream.indirect_vreg.gather [hbm4b:s1+s3], $0x80, v4, vm0, $0xb8;
	[tilespmem:$0x8080] =	vst v63  }
0xeb: {  	_ = 	snop  }
0xec: {  	[tilespmem:s19], [sflag:$0x1] =	stream.indirect_vreg.gather [hbm4b:s1+s3], $0x80, v3, vm0, $0xb8;
	[tilespmem:$0x8080] =	vst v63  }
0xed: {  	v3 =	vld [tilespmem:$0x30];
	_ =	sdelay $0x4  }
0xee: {  	v51 =	vshll.u32 v3, $0x1  }
0xef: {  	v3 =	vand.u32 $0x7, v3;
	v4 =	vand.u32 $0xFFFFFFF0, v51  }
0xf0: {  	v3 =	vor.u32 v3, v4  }
0xf1: {  	v4 =	vperm.xlane v3, v0;
	_ =	sdelay $0x1  }
0xf2: {  	v3 =	vperm.xlane v3, v2;
	v4 =	vadd.s32 v1, v4;
	_ =	sdelay $0x1  }
0xf3: {  	v3 =	vadd.s32 v1, v3;
	_ =	sdelay $0x2  }
0xf4: {  	[tilespmem:s20], [sflag:$0x1] =	stream.indirect_vreg.gather [hbm4b:s1+s3], $0x80, v4, vm0, $0xb8;
	[tilespmem:$0x8080] =	vst v63  }
0xf5: {  	_ = 	snop  }
0xf6: {  	[tilespmem:s21], [sflag:$0x1] =	stream.indirect_vreg.gather [hbm4b:s1+s3], $0x80, v3, vm0, $0xb8;
	[tilespmem:$0x8080] =	vst v63  }
0xf7: {  	v3 =	vld [tilespmem:$0x40];
	_ =	sdelay $0x4  }
0xf8: {  	v52 =	vshll.u32 v3, $0x1  }
0xf9: {  	v3 =	vand.u32 $0x7, v3;
	v4 =	vand.u32 $0xFFFFFFF0, v52  }
0xfa: {  	v3 =	vor.u32 v3, v4  }
0xfb: {  	v4 =	vperm.xlane v3, v0;
	_ =	sdelay $0x1  }
0xfc: {  	v3 =	vperm.xlane v3, v2;
	v4 =	vadd.s32 v1, v4;
	_ =	sdelay $0x1  }
0xfd: {  	v3 =	vadd.s32 v1, v3;
	_ =	sdelay $0x2  }
0xfe: {  	[tilespmem:s22], [sflag:$0x1] =	stream.indirect_vreg.gather [hbm4b:s1+s3], $0x80, v4, vm0, $0xb8;
	[tilespmem:$0x8080] =	vst v63  }
0xff: {  	_ = 	snop  }
0x100: {  	[tilespmem:s23], [sflag:$0x1] =	stream.indirect_vreg.gather [hbm4b:s1+s3], $0x80, v3, vm0, $0xb8;
	[tilespmem:$0x8080] =	vst v63  }
0x101: {  	v3 =	vld [tilespmem:$0x50];
	_ =	sdelay $0x4  }
0x102: {  	v53 =	vshll.u32 v3, $0x1  }
0x103: {  	v3 =	vand.u32 $0x7, v3;
	v4 =	vand.u32 $0xFFFFFFF0, v53  }
0x104: {  	v3 =	vor.u32 v3, v4  }
0x105: {  	v4 =	vperm.xlane v3, v0;
	_ =	sdelay $0x1  }
0x106: {  	v3 =	vperm.xlane v3, v2;
	v4 =	vadd.s32 v1, v4;
	_ =	sdelay $0x1  }
0x107: {  	v3 =	vadd.s32 v1, v3;
	_ =	sdelay $0x2  }
0x108: {  	[tilespmem:s24], [sflag:$0x1] =	stream.indirect_vreg.gather [hbm4b:s1+s3], $0x80, v4, vm0, $0xb8;
	[tilespmem:$0x8080] =	vst v63  }
0x109: {  	_ = 	snop  }
0x10a: {  	[tilespmem:s25], [sflag:$0x1] =	stream.indirect_vreg.gather [hbm4b:s1+s3], $0x80, v3, vm0, $0xb8;
	[tilespmem:$0x8080] =	vst v63  }
0x10b: {  	v3 =	vld [tilespmem:$0x60];
	_ =	sdelay $0x4  }
0x10c: {  	v54 =	vshll.u32 v3, $0x1  }
0x10d: {  	v3 =	vand.u32 $0x7, v3;
	v4 =	vand.u32 $0xFFFFFFF0, v54  }
0x10e: {  	v3 =	vor.u32 v3, v4  }
0x10f: {  	v4 =	vperm.xlane v3, v0;
	_ =	sdelay $0x1  }
0x110: {  	v3 =	vperm.xlane v3, v2;
	v4 =	vadd.s32 v1, v4;
	_ =	sdelay $0x1  }
0x111: {  	v3 =	vadd.s32 v1, v3;
	_ =	sdelay $0x2  }
0x112: {  	[tilespmem:s26], [sflag:$0x1] =	stream.indirect_vreg.gather [hbm4b:s1+s3], $0x80, v4, vm0, $0xb8;
	[tilespmem:$0x8080] =	vst v63  }
0x113: {  	_ = 	snop  }
0x114: {  	[tilespmem:s28], [sflag:$0x1] =	stream.indirect_vreg.gather [hbm4b:s1+s3], $0x80, v3, vm0, $0xb8;
	[tilespmem:$0x8080] =	vst v63  }
0x115: {  	v3 =	vld [tilespmem:$0x70];
	_ =	sdelay $0x4  }
0x116: {  	v55 =	vshll.u32 v3, $0x1  }
0x117: {  	v3 =	vand.u32 $0x7, v3;
	v4 =	vand.u32 $0xFFFFFFF0, v55  }
0x118: {  	v3 =	vor.u32 v3, v4  }
0x119: {  	v4 =	vperm.xlane v3, v0;
	_ =	sdelay $0x1  }
0x11a: {  	v3 =	vperm.xlane v3, v2;
	v4 =	vadd.s32 v1, v4;
	_ =	sdelay $0x1  }
0x11b: {  	v3 =	vadd.s32 v1, v3;
	_ =	sdelay $0x2  }
0x11c: {  	[tilespmem:s29], [sflag:$0x1] =	stream.indirect_vreg.gather [hbm4b:s1+s3], $0x80, v4, vm0, $0xb8;
	[tilespmem:$0x8080] =	vst v63  }
0x11d: {  	_ = 	snop  }
0x11e: {  	[tilespmem:s30], [sflag:$0x1] =	stream.indirect_vreg.gather [hbm4b:s1+s3], $0x80, v3, vm0, $0xb8;
	[tilespmem:$0x8080] =	vst v63  }
0x11f: {  	_ =	swait.ge [sflag:s31], $0x8000  }
0x120: {  	[sflag:s31] =	ssyncset.done $0x0  }
0x121: {  	[sflag:s31] =	ssyncadd.s32 $0xFFFF8000  }
0x122: {  	[hbm4b:s9+s3] =	stream.linear.scatter [tilespmem:s14], [sflag:$0x2], $0x8000, $0x38;
	[tilespmem:$0x8080] =	vst v63  }
0x123: {  	_ =	swait.ge [sflag:s13], $0x8000  }
0x124: {  	[sflag:s13] =	ssyncset.done $0x0  }
0x125: {  	[sflag:s13] =	ssyncadd.s32 $0xFFFF8000  }
0x126: {  	[tilespmem:s3], [sflag:$0x2] =	stream.linear.gather [hbm4b:s10+s3], $0x80, $0x38;
	[tilespmem:$0x8080] =	vst v63  }
0x127: {  	_ =	swait.ge [sflag:s13], $0x80  }
0x128: {  	[sflag:s13] =	ssyncset.done $0x0  }
0x129: {  	[sflag:s13] =	ssyncadd.s32 $0xFFFFFF80  }
0x12a: {  	v3 =	vld [tilespmem:$0x0];
	_ =	sdelay $0x4  }
0x12b: {  	v56 =	vshll.u32 v3, $0x1  }
0x12c: {  	v3 =	vand.u32 $0x7, v3;
	v4 =	vand.u32 $0xFFFFFFF0, v56  }
0x12d: {  	v3 =	vor.u32 v3, v4  }
0x12e: {  	v4 =	vperm.xlane v3, v0;
	_ =	sdelay $0x1  }
0x12f: {  	v3 =	vperm.xlane v3, v2;
	v4 =	vadd.s32 v1, v4;
	_ =	sdelay $0x1  }
0x130: {  	v3 =	vadd.s32 v1, v3;
	_ =	sdelay $0x2  }
0x131: {  	[tilespmem:s14], [sflag:$0x1] =	stream.indirect_vreg.gather [hbm4b:s1+s3], $0x80, v4, vm0, $0xb8;
	[tilespmem:$0x8080] =	vst v63  }
0x132: {  	_ = 	snop  }
0x133: {  	[tilespmem:s15], [sflag:$0x1] =	stream.indirect_vreg.gather [hbm4b:s1+s3], $0x80, v3, vm0, $0xb8;
	[tilespmem:$0x8080] =	vst v63  }
0x134: {  	v3 =	vld [tilespmem:$0x10];
	_ =	sdelay $0x4  }
0x135: {  	v57 =	vshll.u32 v3, $0x1  }
0x136: {  	v3 =	vand.u32 $0x7, v3;
	v4 =	vand.u32 $0xFFFFFFF0, v57  }
0x137: {  	v3 =	vor.u32 v3, v4  }
0x138: {  	v4 =	vperm.xlane v3, v0;
	_ =	sdelay $0x1  }
0x139: {  	v3 =	vperm.xlane v3, v2;
	v4 =	vadd.s32 v1, v4;
	_ =	sdelay $0x1  }
0x13a: {  	v3 =	vadd.s32 v1, v3;
	_ =	sdelay $0x2  }
0x13b: {  	[tilespmem:s16], [sflag:$0x1] =	stream.indirect_vreg.gather [hbm4b:s1+s3], $0x80, v4, vm0, $0xb8;
	[tilespmem:$0x8080] =	vst v63  }
0x13c: {  	_ = 	snop  }
0x13d: {  	[tilespmem:s17], [sflag:$0x1] =	stream.indirect_vreg.gather [hbm4b:s1+s3], $0x80, v3, vm0, $0xb8;
	[tilespmem:$0x8080] =	vst v63  }
0x13e: {  	v3 =	vld [tilespmem:$0x20];
	_ =	sdelay $0x4  }
0x13f: {  	v58 =	vshll.u32 v3, $0x1  }
0x140: {  	v3 =	vand.u32 $0x7, v3;
	v4 =	vand.u32 $0xFFFFFFF0, v58  }
0x141: {  	v3 =	vor.u32 v3, v4  }
0x142: {  	v4 =	vperm.xlane v3, v0;
	_ =	sdelay $0x1  }
0x143: {  	v3 =	vperm.xlane v3, v2;
	v4 =	vadd.s32 v1, v4;
	_ =	sdelay $0x1  }
0x144: {  	v3 =	vadd.s32 v1, v3;
	_ =	sdelay $0x2  }
0x145: {  	[tilespmem:s18], [sflag:$0x1] =	stream.indirect_vreg.gather [hbm4b:s1+s3], $0x80, v4, vm0, $0xb8;
	[tilespmem:$0x8080] =	vst v63  }
0x146: {  	_ = 	snop  }
0x147: {  	[tilespmem:s19], [sflag:$0x1] =	stream.indirect_vreg.gather [hbm4b:s1+s3], $0x80, v3, vm0, $0xb8;
	[tilespmem:$0x8080] =	vst v63  }
0x148: {  	v3 =	vld [tilespmem:$0x30];
	_ =	sdelay $0x4  }
0x149: {  	v59 =	vshll.u32 v3, $0x1  }
0x14a: {  	v3 =	vand.u32 $0x7, v3;
	v4 =	vand.u32 $0xFFFFFFF0, v59  }
0x14b: {  	v3 =	vor.u32 v3, v4  }
0x14c: {  	v4 =	vperm.xlane v3, v0;
	_ =	sdelay $0x1  }
0x14d: {  	v3 =	vperm.xlane v3, v2;
	v4 =	vadd.s32 v1, v4;
	_ =	sdelay $0x1  }
0x14e: {  	v3 =	vadd.s32 v1, v3;
	_ =	sdelay $0x2  }
0x14f: {  	[tilespmem:s20], [sflag:$0x1] =	stream.indirect_vreg.gather [hbm4b:s1+s3], $0x80, v4, vm0, $0xb8;
	[tilespmem:$0x8080] =	vst v63  }
0x150: {  	_ = 	snop  }
0x151: {  	[tilespmem:s21], [sflag:$0x1] =	stream.indirect_vreg.gather [hbm4b:s1+s3], $0x80, v3, vm0, $0xb8;
	[tilespmem:$0x8080] =	vst v63  }
0x152: {  	v3 =	vld [tilespmem:$0x40];
	_ =	sdelay $0x4  }
0x153: {  	v60 =	vshll.u32 v3, $0x1  }
0x154: {  	v3 =	vand.u32 $0x7, v3;
	v4 =	vand.u32 $0xFFFFFFF0, v60  }
0x155: {  	v3 =	vor.u32 v3, v4  }
0x156: {  	v4 =	vperm.xlane v3, v0;
	_ =	sdelay $0x1  }
0x157: {  	v3 =	vperm.xlane v3, v2;
	v4 =	vadd.s32 v1, v4;
	_ =	sdelay $0x1  }
0x158: {  	v3 =	vadd.s32 v1, v3;
	_ =	sdelay $0x2  }
0x159: {  	[tilespmem:s22], [sflag:$0x1] =	stream.indirect_vreg.gather [hbm4b:s1+s3], $0x80, v4, vm0, $0xb8;
	[tilespmem:$0x8080] =	vst v63  }
0x15a: {  	_ = 	snop  }
0x15b: {  	[tilespmem:s23], [sflag:$0x1] =	stream.indirect_vreg.gather [hbm4b:s1+s3], $0x80, v3, vm0, $0xb8;
	[tilespmem:$0x8080] =	vst v63  }
0x15c: {  	v3 =	vld [tilespmem:$0x50];
	_ =	sdelay $0x4  }
0x15d: {  	v61 =	vshll.u32 v3, $0x1  }
0x15e: {  	v3 =	vand.u32 $0x7, v3;
	v4 =	vand.u32 $0xFFFFFFF0, v61  }
0x15f: {  	v3 =	vor.u32 v3, v4  }
0x160: {  	v4 =	vperm.xlane v3, v0;
	_ =	sdelay $0x1  }
0x161: {  	v3 =	vperm.xlane v3, v2;
	v4 =	vadd.s32 v1, v4;
	_ =	sdelay $0x1  }
0x162: {  	v3 =	vadd.s32 v1, v3;
	_ =	sdelay $0x2  }
0x163: {  	[tilespmem:s24], [sflag:$0x1] =	stream.indirect_vreg.gather [hbm4b:s1+s3], $0x80, v4, vm0, $0xb8;
	[tilespmem:$0x8080] =	vst v63  }
0x164: {  	_ = 	snop  }
0x165: {  	[tilespmem:s25], [sflag:$0x1] =	stream.indirect_vreg.gather [hbm4b:s1+s3], $0x80, v3, vm0, $0xb8;
	[tilespmem:$0x8080] =	vst v63  }
0x166: {  	v3 =	vld [tilespmem:$0x60];
	_ =	sdelay $0x4  }
0x167: {  	v62 =	vshll.u32 v3, $0x1  }
0x168: {  	v3 =	vand.u32 $0x7, v3;
	v4 =	vand.u32 $0xFFFFFFF0, v62  }
0x169: {  	v3 =	vor.u32 v3, v4  }
0x16a: {  	v4 =	vperm.xlane v3, v0;
	_ =	sdelay $0x1  }
0x16b: {  	v3 =	vperm.xlane v3, v2;
	v4 =	vadd.s32 v1, v4;
	_ =	sdelay $0x1  }
0x16c: {  	v3 =	vadd.s32 v1, v3;
	_ =	sdelay $0x2  }
0x16d: {  	[tilespmem:s26], [sflag:$0x1] =	stream.indirect_vreg.gather [hbm4b:s1+s3], $0x80, v4, vm0, $0xb8;
	[tilespmem:$0x8080] =	vst v63  }
0x16e: {  	_ = 	snop  }
0x16f: {  	[tilespmem:s28], [sflag:$0x1] =	stream.indirect_vreg.gather [hbm4b:s1+s3], $0x80, v3, vm0, $0xb8;
	[tilespmem:$0x8080] =	vst v63  }
0x170: {  	v3 =	vld [tilespmem:$0x70];
	_ =	sdelay $0x4  }
0x171: {  	v63 =	vshll.u32 v3, $0x1  }
0x172: {  	v3 =	vand.u32 $0x7, v3;
	v4 =	vand.u32 $0xFFFFFFF0, v63  }
0x173: {  	v3 =	vor.u32 v3, v4  }
0x174: {  	v4 =	vperm.xlane v3, v0;
	_ =	sdelay $0x1  }
0x175: {  	v3 =	vperm.xlane v3, v2;
	v4 =	vadd.s32 v1, v4;
	_ =	sdelay $0x1  }
0x176: {  	v3 =	vadd.s32 v1, v3;
	_ =	sdelay $0x2  }
0x177: {  	[tilespmem:s29], [sflag:$0x1] =	stream.indirect_vreg.gather [hbm4b:s1+s3], $0x80, v4, vm0, $0xb8;
	[tilespmem:$0x8080] =	vst v63  }
0x178: {  	_ = 	snop  }
0x179: {  	[tilespmem:s30], [sflag:$0x1] =	stream.indirect_vreg.gather [hbm4b:s1+s3], $0x80, v3, vm0, $0xb8;
	[tilespmem:$0x8080] =	vst v63  }
0x17a: {  	_ =	swait.ge [sflag:s31], $0x8000  }
0x17b: {  	p0 =	sne.s32 s12, $0x1;
	[sflag:s31] =	ssyncset.done $0x0  }
.Ltmp0:
0x17c: {  	[sflag:s31] =	ssyncadd.s32 $0xFFFF8000;
	(pc) =	sbr.rel @p0 .LBB2_1-.Ltmp0, $4  }
0x17d: {  	[hbm4b:s11+s3] =	stream.linear.scatter [tilespmem:s14], [sflag:$0x2], $0x8000, $0x38;
	[tilespmem:$0x8080] =	vst v63  }
0x17e: {  	_ =	swait.ge [sflag:s13], $0x8000  }
0x17f: {  	[sflag:s13] =	ssyncset.done $0x0  }
0x180: {  	s12 =	sadd.s32 $0xFFFFFFFF, s12;
	[sflag:s13] =	ssyncadd.s32 $0xFFFF8000  }
0x181: {  	_ =	sfence.sel $0x180000  }
0x182: {  	[bflag:$0x0] =	sbarrier.arrive $0xFFFF  }
0x183: {  	p0 =	sne.s32 s2, $0x0;
	_ =	strace $0x90000047  }
0x184: {  	s0 =	sadd.s32 @!p0 $0x100000, s0;
	[bflag:$0x2] =	sbarrier.arrive $0xFFFF  }
0x185: {  	[sflag:s0] =	ssyncadd.tile.s32 @!p0 $0x1;
	_ =	shalt  }
.Lfunc_end2:
_tile_overlayer_lowered:
.L_overlay_start_2:
0x186: {  	(tag) =	ssettag $0x2  }
0x187: {  	s0 =	rddreg [dreg:$0x0];
	s2 =	stileid.u32  }
0x188: {  	s1 =	rddreg [dreg:$0x1];
	p0 =	sne.s32 s2, $0x0  }
0x189: {  	s3 =	rddreg [dreg:$0x2];
	[bflag:$0x3] =	sbarrier.arrive $0xFFFF;
	s2 =	simm.s32 @!p0 $0x1C02  }
0x18a: {  	[timem:s3], [sflag:s2] =	dma.local @!p0 [hbm:s0], s1  }
0x18b: {  	s0 =	simm.s32 @!p0 $0x2  }
0x18c: {  	_ =	swait.ge @!p0 [sflag:s0], s1  }
0x18d: {  	s1 =	ssub.s32 @!p0 $0x0, s1;
	[sflag:s0] =	ssyncset.done @!p0 $0x0  }
0x18e: {  	[sflag:s0] =	ssyncadd.s32 @!p0 s1  }
0x18f: {  	[bflag:$0x3] =	sbarrier.arrive $0xFFFF  }
0x190: {  	_ =	shalt  }

</sc_bundles>
